<compile_context>
chip_gen: v7x
topology: tpu7x:2x2x1
jax: 0.10.2.dev20260603
libtpu: 0.0.44.dev20260713+nightly
codegen_flags: <defaults>
</compile_context>

<pallas_src>
import functools

import jax
import jax.numpy as jnp
from jax import lax
from jax.experimental import pallas as pl
from jax.experimental.pallas import tpu as pltpu
from jax.experimental.pallas import tpu_sc as plsc

N = 10000
FEAT = 128
EMBED = 128
NUM_CLASSES = 64

NC = 2
NS = 16
NW = NC * NS
CHUNK = 112
PADR = 4
NPAD = 10008
ZROWS = 632
ZTAIL = NPAD - 15 * ZROWS
OROWS = 632
OTAIL = N - 15 * OROWS


def _span(table_sh, out_hbm, c, s, full, tail, to_hbm):

    @pl.when(s < NS - 1)
    def _():
        if to_hbm:
            pltpu.sync_copy(table_sh.at[pl.ds(s * full, full)],
                            out_hbm.at[c, pl.ds(s * full, full)])
        else:
            pltpu.sync_copy(out_hbm.at[pl.ds(s * full, full)],
                            table_sh.at[pl.ds(s * full, full)])

    @pl.when(s == NS - 1)
    def _():
        base = (NS - 1) * full
        if to_hbm:
            pltpu.sync_copy(table_sh.at[pl.ds(base, tail)],
                            out_hbm.at[c, pl.ds(base, tail)])
        else:
            pltpu.sync_copy(out_hbm.at[pl.ds(base, tail)],
                            table_sh.at[pl.ds(base, tail)])


def _deg_kernel(cpt):
    mesh = plsc.VectorSubcoreMesh(core_axis_name="c", subcore_axis_name="s")

    @functools.partial(
        pl.kernel,
        mesh=mesh,
        out_type=jax.ShapeDtypeStruct((NC, N, 16), jnp.float32),
        scratch_types=[
            pltpu.VMEM((cpt + PADR, CHUNK), jnp.int32),
            pltpu.VMEM((CHUNK, 16), jnp.float32),
            pltpu.VMEM_SHARED((NPAD, 16), jnp.float32),
            pltpu.SemaphoreType.DMA,
        ],
        compiler_params=pltpu.CompilerParams(use_tc_tiling_on_sc=False),
    )
    def k(dst_hbm, ones_hbm, z_hbm, out_hbm, didx_v, ones_v, deg_sh, sem):
        c = lax.axis_index("c")
        s = lax.axis_index("s")
        wid = c * NS + s
        pltpu.sync_copy(dst_hbm.at[wid], didx_v)
        _span(deg_sh, z_hbm, c, s, ZROWS, ZTAIL, to_hbm=False)
        pltpu.sync_copy(ones_hbm, ones_v)
        plsc.subcore_barrier()

        @pl.loop(0, cpt, step=4)
        def _(j):
            for b in range(4):
                pltpu.async_copy(ones_v, deg_sh.at[didx_v.at[j + b]], sem,
                                 add=True)
            for b in range(4):
                pltpu.make_async_copy(ones_v, deg_sh.at[didx_v.at[j + b]],
                                      sem).wait()

        plsc.subcore_barrier()
        _span(deg_sh, out_hbm, c, s, OROWS, OTAIL, to_hbm=True)

    return k


def _seg_sum_kernel(width, cpt, nbuf):
    mesh = plsc.VectorSubcoreMesh(core_axis_name="c", subcore_axis_name="s")

    @functools.partial(
        pl.kernel,
        mesh=mesh,
        out_type=jax.ShapeDtypeStruct((NC, N, width), jnp.float32),
        scratch_types=[
            pltpu.VMEM((cpt + PADR, CHUNK), jnp.int32),
            pltpu.VMEM((cpt + PADR, CHUNK), jnp.int32),
            [pltpu.VMEM((CHUNK, width), jnp.float32) for _ in range(nbuf)],
            pltpu.VMEM_SHARED((NPAD, width), jnp.float32),
            [pltpu.SemaphoreType.DMA for _ in range(nbuf)],
            [pltpu.SemaphoreType.DMA for _ in range(nbuf)],
        ],
        compiler_params=pltpu.CompilerParams(use_tc_tiling_on_sc=False),
    )
    def k(h_hbm, src_hbm, dst_hbm, z_hbm, out_hbm,
          sidx_v, didx_v, rows, agg_sh, sems, ssems):
        c = lax.axis_index("c")
        s = lax.axis_index("s")
        wid = c * NS + s
        pltpu.sync_copy(src_hbm.at[wid], sidx_v)
        pltpu.sync_copy(dst_hbm.at[wid], didx_v)
        _span(agg_sh, z_hbm, c, s, ZROWS, ZTAIL, to_hbm=False)
        plsc.subcore_barrier()

        @pl.loop(0, cpt, step=nbuf)
        def _(j):
            gathers = [
                pltpu.async_copy(h_hbm.at[sidx_v.at[j + b]], rows[b], sems[b])
                for b in range(nbuf)
            ]
            scatters = []
            for b in range(nbuf):
                gathers[b].wait()
                scatters.append(
                    pltpu.async_copy(rows[b], agg_sh.at[didx_v.at[j + b]],
                                     ssems[b], add=True))
            for b in range(nbuf):
                scatters[b].wait()

        plsc.subcore_barrier()
        _span(agg_sh, out_hbm, c, s, OROWS, OTAIL, to_hbm=True)

    return k


def _dis_block(degp_ref):
    deg = degp_ref[0, :, 0:1] + degp_ref[1, :, 0:1]
    return lax.rsqrt(jnp.maximum(deg, 1.0))


_TC_R = 2000


def _tc1_body(x_ref, w_ref, degp_ref, out_ref):
    dis = _dis_block(degp_ref)
    h = jnp.dot(x_ref[...], w_ref[...], preferred_element_type=jnp.float32)
    out_ref[...] = h * dis


def _tc2_body(aggp_ref, degp_ref, w_ref, out_ref):
    dis = _dis_block(degp_ref)
    agg = aggp_ref[0] + aggp_ref[1]
    h = jnp.maximum(agg * dis, 0.0)
    out_ref[...] = jnp.dot(h, w_ref[...],
                           preferred_element_type=jnp.float32) * dis


def _tc3_body(aggp_ref, degp_ref, out_ref):
    dis = _dis_block(degp_ref)
    o = (aggp_ref[0] + aggp_ref[1]) * dis
    m = jnp.max(o, axis=1, keepdims=True)
    lse = jnp.log(jnp.sum(jnp.exp(o - m), axis=1, keepdims=True))
    out_ref[...] = o - m - lse


def _deg_spec():
    return pl.BlockSpec((NC, _TC_R, 16), lambda i: (0, i, 0))


def _tc1_call(x, W1, degp):
    return pl.pallas_call(
        _tc1_body,
        grid=(N // _TC_R,),
        in_specs=[
            pl.BlockSpec((_TC_R, FEAT), lambda i: (i, 0)),
            pl.BlockSpec((FEAT, EMBED), lambda i: (0, 0)),
            _deg_spec(),
        ],
        out_specs=pl.BlockSpec((_TC_R, EMBED), lambda i: (i, 0)),
        out_shape=jax.ShapeDtypeStruct((N, EMBED), jnp.float32),
    )(x, W1, degp)


def _tc2_call(aggp, degp, W2):
    return pl.pallas_call(
        _tc2_body,
        grid=(N // _TC_R,),
        in_specs=[
            pl.BlockSpec((NC, _TC_R, EMBED), lambda i: (0, i, 0)),
            _deg_spec(),
            pl.BlockSpec((EMBED, NUM_CLASSES), lambda i: (0, 0)),
        ],
        out_specs=pl.BlockSpec((_TC_R, NUM_CLASSES), lambda i: (i, 0)),
        out_shape=jax.ShapeDtypeStruct((N, NUM_CLASSES), jnp.float32),
    )(aggp, degp, W2)


def _tc3_call(aggp, degp):
    return pl.pallas_call(
        _tc3_body,
        grid=(N // _TC_R,),
        in_specs=[
            pl.BlockSpec((NC, _TC_R, NUM_CLASSES), lambda i: (0, i, 0)),
            _deg_spec(),
        ],
        out_specs=pl.BlockSpec((_TC_R, NUM_CLASSES), lambda i: (i, 0)),
        out_shape=jax.ShapeDtypeStruct((N, NUM_CLASSES), jnp.float32),
    )(aggp, degp)


def kernel(x, edge_index, W1, W2):
    src = edge_index[0]
    dst = edge_index[1]
    e = src.shape[0]
    cpt = -(-e // (NW * CHUNK))
    cpt = -(-cpt // 4) * 4
    ep_total = cpt * NW * CHUNK
    pad = ep_total - e
    srcp = jnp.concatenate([src, jnp.zeros((pad,), jnp.int32)])
    dstp = jnp.concatenate([dst, jnp.full((pad,), N, jnp.int32)])
    src3 = jnp.concatenate(
        [srcp.reshape(NW, cpt, CHUNK),
         jnp.zeros((NW, PADR, CHUNK), jnp.int32)], axis=1)
    dst3 = jnp.concatenate(
        [dstp.reshape(NW, cpt, CHUNK),
         jnp.full((NW, PADR, CHUNK), N, jnp.int32)], axis=1)
    ones16 = jnp.ones((CHUNK, 16), jnp.float32)
    z16 = jnp.zeros((NPAD, 16), jnp.float32)
    z_embed = jnp.zeros((NPAD, EMBED), jnp.float32)
    z_cls = jnp.zeros((NPAD, NUM_CLASSES), jnp.float32)

    degp = _deg_kernel(cpt)(dst3, ones16, z16)
    h1s = _tc1_call(x, W1, degp)
    agg1 = _seg_sum_kernel(EMBED, cpt, 2)(h1s, src3, dst3, z_embed)
    h2s = _tc2_call(agg1, degp, W2)
    agg2 = _seg_sum_kernel(NUM_CLASSES, cpt, 4)(h2s, src3, dst3, z_cls)
    return _tc3_call(agg2, degp)

# --- scband reference (transcript-rebuilt; emitter-appended) ---
"""Pipeline reference for scband-custom-gcn-45990509805904 (READ-ONLY COPY).

The authoritative reference and input builder live on the scoring server;
editing this copy changes nothing except your own understanding.
"""

import jax, jax.numpy as jnp
import numpy as np

N = 10000
E = 320000
FEAT = 128
EMBED = 128
NUM_CLASSES = 64


def setup_inputs(seed: int = 0):
    key = jax.random.key(seed)
    k1, k2, k3, k4 = jax.random.split(key, 4)
    x = jax.random.normal(k1, (N, FEAT), dtype=jnp.float32)
    edge_index = jax.random.randint(k2, (2, E), 0, N, dtype=jnp.int32)
    W1 = jax.random.normal(k3, (FEAT, EMBED), dtype=jnp.float32) * (1.0 / np.sqrt(FEAT))
    W2 = jax.random.normal(k4, (EMBED, NUM_CLASSES), dtype=jnp.float32) * (1.0 / np.sqrt(EMBED))
    return {"x": x, "edge_index": edge_index, "W1": W1, "W2": W2}


def _gcn_layer(x, src, dst, W, deg_inv_sqrt):
    # GCNConv with fixed (normalized) adjacency baked in at init:
    # out = D^{-1/2} A D^{-1/2} (x @ W), realized as gather + segment_sum
    h = x @ W
    msgs = jnp.take(h, src, axis=0) * deg_inv_sqrt[src][:, None]
    agg = jax.ops.segment_sum(msgs, dst, num_segments=N)
    return agg * deg_inv_sqrt[:, None]


def reference(x, edge_index, W1, W2):
    src = edge_index[0]
    dst = edge_index[1]
    deg = jnp.bincount(dst, length=N).astype(jnp.float32)
    deg_inv_sqrt = 1.0 / jnp.sqrt(jnp.maximum(deg, 1.0))
    h = _gcn_layer(x, src, dst, W1, deg_inv_sqrt)
    h = jax.nn.relu(h)
    out = _gcn_layer(h, src, dst, W2, deg_inv_sqrt)
    return jax.nn.log_softmax(out, axis=1)

if __name__ == "__main__":
    import jax
    _d = setup_inputs()
    print(jax.jit(kernel)(*tuple(_d.values())))

</pallas_src>

<mosaic_0001>
#map = affine_map<(d0, d1) -> (0, 0, 0)>
#map1 = affine_map<(d0, d1) -> (0, 0)>
module attributes {stable_mosaic.version = 14 : i64} {
  func.func @k(%arg0: i32, %arg1: i32, %arg2: memref<32x96x112xi32, #tpu.memory_space<hbm>>, %arg3: memref<112x16xf32, #tpu.memory_space<hbm>>, %arg4: memref<10008x16xf32, #tpu.memory_space<hbm>>, %arg5: memref<2x10000x16xf32, #tpu.memory_space<hbm>>, %arg6: memref<96x112xi32, #tpu.memory_space<vmem>>, %arg7: memref<112x16xf32, #tpu.memory_space<vmem>>, %arg8: memref<10008x16xf32, #tpu.memory_space<vmem_shared>>, %arg9: memref<!tpu.dma_semaphore, #tpu.memory_space<semaphore_mem>>) attributes {dimension_semantics = [#tpu.dimension_semantics<core_parallel>, #tpu.dimension_semantics<subcore_parallel>], iteration_bounds = array<i64: 2, 16>, scalar_prefetch = 0 : i64, scratch_operands = 4 : i64, tpu.core_type = #tpu.core_type<sc_vector_subcore>, window_params = [{transform_indices = #map}, {transform_indices = #map1}, {transform_indices = #map1}, {transform_indices = #map}]} {
    %mul3A = arith.constant 16 : i32
    %mul3A_0 = arith.muli %arg0, %mul3A : i32
    %add3A = arith.addi %mul3A_0, %arg1 : i32
    "tpu.region"() ({
      %run_scoped3A = tpu.sem_alloc : memref<!tpu.dma_semaphore, #tpu.memory_space<semaphore_mem>>
      %dma_start3A = arith.constant 0 : i32
      %dma_start3A_22 = arith.constant 0 : i32
      %dma_start3A_23 = tpu.memref_slice %arg2[%add3A, %dma_start3A, %dma_start3A_22] : memref<32x96x112xi32, #tpu.memory_space<hbm>> -> memref<1x96x112xi32, #tpu.memory_space<hbm>>
      %dma_start3A_24 = tpu.memref_squeeze %dma_start3A_23 : memref<1x96x112xi32, #tpu.memory_space<hbm>> -> memref<96x112xi32, #tpu.memory_space<hbm>>
      %dma_start3A_25 = arith.constant 0 : i32
      %dma_start3A_26 = arith.constant 0 : i32
      %dma_start3A_27 = tpu.memref_slice %arg2[%add3A, %dma_start3A_25, %dma_start3A_26] : memref<32x96x112xi32, #tpu.memory_space<hbm>> -> memref<1x96x112xi32, #tpu.memory_space<hbm>>
      %dma_start3A_28 = tpu.memref_squeeze %dma_start3A_27 : memref<1x96x112xi32, #tpu.memory_space<hbm>> -> memref<96x112xi32, #tpu.memory_space<hbm>>
      tpu.enqueue_dma source(%dma_start3A_28 : memref<96x112xi32, #tpu.memory_space<hbm>>) target(%arg6 : memref<96x112xi32, #tpu.memory_space<vmem>>) target_semaphore(%run_scoped3A : memref<!tpu.dma_semaphore, #tpu.memory_space<semaphore_mem>>)
      %dma_wait3A = arith.constant 0 : i32
      %dma_wait3A_29 = arith.constant 0 : i32
      %dma_wait3A_30 = tpu.memref_slice %arg2[%add3A, %dma_wait3A, %dma_wait3A_29] : memref<32x96x112xi32, #tpu.memory_space<hbm>> -> memref<1x96x112xi32, #tpu.memory_space<hbm>>
      %dma_wait3A_31 = tpu.memref_squeeze %dma_wait3A_30 : memref<1x96x112xi32, #tpu.memory_space<hbm>> -> memref<96x112xi32, #tpu.memory_space<hbm>>
      %dma_wait3A_32 = arith.constant 0 : i32
      %dma_wait3A_33 = arith.constant 0 : i32
      %dma_wait3A_34 = tpu.memref_slice %arg2[%add3A, %dma_wait3A_32, %dma_wait3A_33] : memref<32x96x112xi32, #tpu.memory_space<hbm>> -> memref<1x96x112xi32, #tpu.memory_space<hbm>>
      %dma_wait3A_35 = tpu.memref_squeeze %dma_wait3A_34 : memref<1x96x112xi32, #tpu.memory_space<hbm>> -> memref<96x112xi32, #tpu.memory_space<hbm>>
      tpu.wait_dma2 semaphore(%run_scoped3A : memref<!tpu.dma_semaphore, #tpu.memory_space<semaphore_mem>>) src(%dma_wait3A_35 : memref<96x112xi32, #tpu.memory_space<hbm>>) dst(%arg6 : memref<96x112xi32, #tpu.memory_space<vmem>>)
      tpu.yield
    }) : () -> ()
    %lt3A = arith.constant 15 : i32
    %lt3A_1 = arith.cmpi slt, %arg1, %lt3A : i32
    %convert_element_type3A = arith.extui %lt3A_1 : i1 to i32
    %cond3A = arith.constant 0 : i32
    %cond3A_2 = arith.cmpi ne, %convert_element_type3A, %cond3A : i32
    scf.if %cond3A_2 {
      %mul3A_22 = arith.constant 632 : i32
      %mul3A_23 = arith.muli %arg1, %mul3A_22 : i32
      %mul3A_24 = arith.constant 632 : i32
      %mul3A_25 = arith.muli %arg1, %mul3A_24 : i32
      "tpu.region"() ({
        %run_scoped3A = tpu.sem_alloc : memref<!tpu.dma_semaphore, #tpu.memory_space<semaphore_mem>>
        %dma_start3A = arith.constant 0 : i32
        %dma_start3A_26 = tpu.memref_slice %arg8[%mul3A_25, %dma_start3A] : memref<10008x16xf32, #tpu.memory_space<vmem_shared>> -> memref<632x16xf32, #tpu.memory_space<vmem_shared>>
        %dma_start3A_27 = arith.constant 0 : i32
        %dma_start3A_28 = tpu.memref_slice %arg4[%mul3A_23, %dma_start3A_27] : memref<10008x16xf32, #tpu.memory_space<hbm>> -> memref<632x16xf32, #tpu.memory_space<hbm>>
        tpu.enqueue_dma source(%dma_start3A_28 : memref<632x16xf32, #tpu.memory_space<hbm>>) target(%dma_start3A_26 : memref<632x16xf32, #tpu.memory_space<vmem_shared>>) target_semaphore(%run_scoped3A : memref<!tpu.dma_semaphore, #tpu.memory_space<semaphore_mem>>)
        %dma_wait3A = arith.constant 0 : i32
        %dma_wait3A_29 = tpu.memref_slice %arg8[%mul3A_25, %dma_wait3A] : memref<10008x16xf32, #tpu.memory_space<vmem_shared>> -> memref<632x16xf32, #tpu.memory_space<vmem_shared>>
        %dma_wait3A_30 = arith.constant 0 : i32
        %dma_wait3A_31 = tpu.memref_slice %arg4[%mul3A_23, %dma_wait3A_30] : memref<10008x16xf32, #tpu.memory_space<hbm>> -> memref<632x16xf32, #tpu.memory_space<hbm>>
        tpu.wait_dma2 semaphore(%run_scoped3A : memref<!tpu.dma_semaphore, #tpu.memory_space<semaphore_mem>>) src(%dma_wait3A_31 : memref<632x16xf32, #tpu.memory_space<hbm>>) dst(%dma_wait3A_29 : memref<632x16xf32, #tpu.memory_space<vmem_shared>>)
        tpu.yield
      }) : () -> ()
    } else {
    }
    %eq3A = arith.constant 15 : i32
    %eq3A_3 = arith.cmpi eq, %arg1, %eq3A : i32
    %convert_element_type3A_4 = arith.extui %eq3A_3 : i1 to i32
    %cond3A_5 = arith.constant 0 : i32
    %cond3A_6 = arith.cmpi ne, %convert_element_type3A_4, %cond3A_5 : i32
    scf.if %cond3A_6 {
      "tpu.region"() ({
        %run_scoped3A = tpu.sem_alloc : memref<!tpu.dma_semaphore, #tpu.memory_space<semaphore_mem>>
        %dma_start3A = arith.constant 9480 : i32
        %dma_start3A_22 = arith.constant 0 : i32
        %dma_start3A_23 = tpu.memref_slice %arg8[%dma_start3A, %dma_start3A_22] : memref<10008x16xf32, #tpu.memory_space<vmem_shared>> -> memref<528x16xf32, #tpu.memory_space<vmem_shared>>
        %dma_start3A_24 = arith.constant 9480 : i32
        %dma_start3A_25 = arith.constant 0 : i32
        %dma_start3A_26 = tpu.memref_slice %arg4[%dma_start3A_24, %dma_start3A_25] : memref<10008x16xf32, #tpu.memory_space<hbm>> -> memref<528x16xf32, #tpu.memory_space<hbm>>
        tpu.enqueue_dma source(%dma_start3A_26 : memref<528x16xf32, #tpu.memory_space<hbm>>) target(%dma_start3A_23 : memref<528x16xf32, #tpu.memory_space<vmem_shared>>) target_semaphore(%run_scoped3A : memref<!tpu.dma_semaphore, #tpu.memory_space<semaphore_mem>>)
        %dma_wait3A = arith.constant 9480 : i32
        %dma_wait3A_27 = arith.constant 0 : i32
        %dma_wait3A_28 = tpu.memref_slice %arg8[%dma_wait3A, %dma_wait3A_27] : memref<10008x16xf32, #tpu.memory_space<vmem_shared>> -> memref<528x16xf32, #tpu.memory_space<vmem_shared>>
        %dma_wait3A_29 = arith.constant 9480 : i32
        %dma_wait3A_30 = arith.constant 0 : i32
        %dma_wait3A_31 = tpu.memref_slice %arg4[%dma_wait3A_29, %dma_wait3A_30] : memref<10008x16xf32, #tpu.memory_space<hbm>> -> memref<528x16xf32, #tpu.memory_space<hbm>>
        tpu.wait_dma2 semaphore(%run_scoped3A : memref<!tpu.dma_semaphore, #tpu.memory_space<semaphore_mem>>) src(%dma_wait3A_31 : memref<528x16xf32, #tpu.memory_space<hbm>>) dst(%dma_wait3A_28 : memref<528x16xf32, #tpu.memory_space<vmem_shared>>)
        tpu.yield
      }) : () -> ()
    } else {
    }
    "tpu.region"() ({
      %run_scoped3A = tpu.sem_alloc : memref<!tpu.dma_semaphore, #tpu.memory_space<semaphore_mem>>
      tpu.enqueue_dma source(%arg3 : memref<112x16xf32, #tpu.memory_space<hbm>>) target(%arg7 : memref<112x16xf32, #tpu.memory_space<vmem>>) target_semaphore(%run_scoped3A : memref<!tpu.dma_semaphore, #tpu.memory_space<semaphore_mem>>)
      tpu.wait_dma2 semaphore(%run_scoped3A : memref<!tpu.dma_semaphore, #tpu.memory_space<semaphore_mem>>) src(%arg3 : memref<112x16xf32, #tpu.memory_space<hbm>>) dst(%arg7 : memref<112x16xf32, #tpu.memory_space<vmem>>)
      tpu.yield
    }) : () -> ()
    %barrier3A = arith.constant 0 : index
    tpu.barrier barrier_id(%barrier3A)
    %scan3A = arith.constant 0 : i32
    %scan3A_7 = arith.constant 23 : i32
    %scan3A_8 = arith.addi %scan3A, %scan3A_7 : i32
    %scan3A_9 = arith.constant 1 : i32
    scf.for %scan3A_22 = %scan3A to %scan3A_8 step %scan3A_9  : i32 {
      %mul3A_23 = arith.constant 4 : i32
      %mul3A_24 = arith.muli %scan3A_22, %mul3A_23 : i32
      %add3A_25 = arith.constant 0 : i32
      %add3A_26 = arith.addi %add3A_25, %mul3A_24 : i32
      %add3A_27 = arith.constant 0 : i32
      %add3A_28 = arith.addi %add3A_26, %add3A_27 : i32
      %dma_start3A = arith.constant 0 : i32
      %dma_start3A_29 = tpu.memref_slice %arg6[%add3A_28, %dma_start3A] : memref<96x112xi32, #tpu.memory_space<vmem>> -> memref<1x112xi32, #tpu.memory_space<vmem>>
      %dma_start3A_30 = tpu.memref_squeeze %dma_start3A_29 : memref<1x112xi32, #tpu.memory_space<vmem>> -> memref<112xi32, #tpu.memory_space<vmem>>
      %dma_start3A_31 = arith.constant 0 : i32
      %dma_start3A_32 = arith.constant 0 : i32
      %dma_start3A_33 = tpu.memref_slice %arg8[%dma_start3A_31, %dma_start3A_32] : memref<10008x16xf32, #tpu.memory_space<vmem_shared>> -> memref<10008x16xf32, #tpu.memory_space<vmem_shared>>
      tpu.enqueue_indirect_dma source(%arg7 : memref<112x16xf32, #tpu.memory_space<vmem>>) target(%dma_start3A_33 : memref<10008x16xf32, #tpu.memory_space<vmem_shared>>) offsets(%dma_start3A_30 : memref<112xi32, #tpu.memory_space<vmem>>) semaphore(%arg9 : memref<!tpu.dma_semaphore, #tpu.memory_space<semaphore_mem>>) {add = true}
      %add3A_34 = arith.constant 1 : i32
      %add3A_35 = arith.addi %add3A_26, %add3A_34 : i32
      %dma_start3A_36 = arith.constant 0 : i32
      %dma_start3A_37 = tpu.memref_slice %arg6[%add3A_35, %dma_start3A_36] : memref<96x112xi32, #tpu.memory_space<vmem>> -> memref<1x112xi32, #tpu.memory_space<vmem>>
      %dma_start3A_38 = tpu.memref_squeeze %dma_start3A_37 : memref<1x112xi32, #tpu.memory_space<vmem>> -> memref<112xi32, #tpu.memory_space<vmem>>
      %dma_start3A_39 = arith.constant 0 : i32
      %dma_start3A_40 = arith.constant 0 : i32
      %dma_start3A_41 = tpu.memref_slice %arg8[%dma_start3A_39, %dma_start3A_40] : memref<10008x16xf32, #tpu.memory_space<vmem_shared>> -> memref<10008x16xf32, #tpu.memory_space<vmem_shared>>
      tpu.enqueue_indirect_dma source(%arg7 : memref<112x16xf32, #tpu.memory_space<vmem>>) target(%dma_start3A_41 : memref<10008x16xf32, #tpu.memory_space<vmem_shared>>) offsets(%dma_start3A_38 : memref<112xi32, #tpu.memory_space<vmem>>) semaphore(%arg9 : memref<!tpu.dma_semaphore, #tpu.memory_space<semaphore_mem>>) {add = true}
      %add3A_42 = arith.constant 2 : i32
      %add3A_43 = arith.addi %add3A_26, %add3A_42 : i32
      %dma_start3A_44 = arith.constant 0 : i32
      %dma_start3A_45 = tpu.memref_slice %arg6[%add3A_43, %dma_start3A_44] : memref<96x112xi32, #tpu.memory_space<vmem>> -> memref<1x112xi32, #tpu.memory_space<vmem>>
      %dma_start3A_46 = tpu.memref_squeeze %dma_start3A_45 : memref<1x112xi32, #tpu.memory_space<vmem>> -> memref<112xi32, #tpu.memory_space<vmem>>
      %dma_start3A_47 = arith.constant 0 : i32
      %dma_start3A_48 = arith.constant 0 : i32
      %dma_start3A_49 = tpu.memref_slice %arg8[%dma_start3A_47, %dma_start3A_48] : memref<10008x16xf32, #tpu.memory_space<vmem_shared>> -> memref<10008x16xf32, #tpu.memory_space<vmem_shared>>
      tpu.enqueue_indirect_dma source(%arg7 : memref<112x16xf32, #tpu.memory_space<vmem>>) target(%dma_start3A_49 : memref<10008x16xf32, #tpu.memory_space<vmem_shared>>) offsets(%dma_start3A_46 : memref<112xi32, #tpu.memory_space<vmem>>) semaphore(%arg9 : memref<!tpu.dma_semaphore, #tpu.memory_space<semaphore_mem>>) {add = true}
      %add3A_50 = arith.constant 3 : i32
      %add3A_51 = arith.addi %add3A_26, %add3A_50 : i32
      %dma_start3A_52 = arith.constant 0 : i32
      %dma_start3A_53 = tpu.memref_slice %arg6[%add3A_51, %dma_start3A_52] : memref<96x112xi32, #tpu.memory_space<vmem>> -> memref<1x112xi32, #tpu.memory_space<vmem>>
      %dma_start3A_54 = tpu.memref_squeeze %dma_start3A_53 : memref<1x112xi32, #tpu.memory_space<vmem>> -> memref<112xi32, #tpu.memory_space<vmem>>
      %dma_start3A_55 = arith.constant 0 : i32
      %dma_start3A_56 = arith.constant 0 : i32
      %dma_start3A_57 = tpu.memref_slice %arg8[%dma_start3A_55, %dma_start3A_56] : memref<10008x16xf32, #tpu.memory_space<vmem_shared>> -> memref<10008x16xf32, #tpu.memory_space<vmem_shared>>
      tpu.enqueue_indirect_dma source(%arg7 : memref<112x16xf32, #tpu.memory_space<vmem>>) target(%dma_start3A_57 : memref<10008x16xf32, #tpu.memory_space<vmem_shared>>) offsets(%dma_start3A_54 : memref<112xi32, #tpu.memory_space<vmem>>) semaphore(%arg9 : memref<!tpu.dma_semaphore, #tpu.memory_space<semaphore_mem>>) {add = true}
      %add3A_58 = arith.constant 0 : i32
      %add3A_59 = arith.addi %add3A_26, %add3A_58 : i32
      %dma_wait3A = arith.constant 0 : i32
      %dma_wait3A_60 = tpu.memref_slice %arg6[%add3A_59, %dma_wait3A] : memref<96x112xi32, #tpu.memory_space<vmem>> -> memref<1x112xi32, #tpu.memory_space<vmem>>
      %dma_wait3A_61 = tpu.memref_squeeze %dma_wait3A_60 : memref<1x112xi32, #tpu.memory_space<vmem>> -> memref<112xi32, #tpu.memory_space<vmem>>
      %dma_wait3A_62 = arith.constant 0 : i32
      %dma_wait3A_63 = arith.constant 0 : i32
      %dma_wait3A_64 = tpu.memref_slice %arg8[%dma_wait3A_62, %dma_wait3A_63] : memref<10008x16xf32, #tpu.memory_space<vmem_shared>> -> memref<10008x16xf32, #tpu.memory_space<vmem_shared>>
      tpu.wait_indirect_dma semaphore(%arg9 : memref<!tpu.dma_semaphore, #tpu.memory_space<semaphore_mem>>) src(%arg7 : memref<112x16xf32, #tpu.memory_space<vmem>>) dst(%dma_wait3A_64 : memref<10008x16xf32, #tpu.memory_space<vmem_shared>>)
      %add3A_65 = arith.constant 1 : i32
      %add3A_66 = arith.addi %add3A_26, %add3A_65 : i32
      %dma_wait3A_67 = arith.constant 0 : i32
      %dma_wait3A_68 = tpu.memref_slice %arg6[%add3A_66, %dma_wait3A_67] : memref<96x112xi32, #tpu.memory_space<vmem>> -> memref<1x112xi32, #tpu.memory_space<vmem>>
      %dma_wait3A_69 = tpu.memref_squeeze %dma_wait3A_68 : memref<1x112xi32, #tpu.memory_space<vmem>> -> memref<112xi32, #tpu.memory_space<vmem>>
      %dma_wait3A_70 = arith.constant 0 : i32
      %dma_wait3A_71 = arith.constant 0 : i32
      %dma_wait3A_72 = tpu.memref_slice %arg8[%dma_wait3A_70, %dma_wait3A_71] : memref<10008x16xf32, #tpu.memory_space<vmem_shared>> -> memref<10008x16xf32, #tpu.memory_space<vmem_shared>>
      tpu.wait_indirect_dma semaphore(%arg9 : memref<!tpu.dma_semaphore, #tpu.memory_space<semaphore_mem>>) src(%arg7 : memref<112x16xf32, #tpu.memory_space<vmem>>) dst(%dma_wait3A_72 : memref<10008x16xf32, #tpu.memory_space<vmem_shared>>)
      %add3A_73 = arith.constant 2 : i32
      %add3A_74 = arith.addi %add3A_26, %add3A_73 : i32
      %dma_wait3A_75 = arith.constant 0 : i32
      %dma_wait3A_76 = tpu.memref_slice %arg6[%add3A_74, %dma_wait3A_75] : memref<96x112xi32, #tpu.memory_space<vmem>> -> memref<1x112xi32, #tpu.memory_space<vmem>>
      %dma_wait3A_77 = tpu.memref_squeeze %dma_wait3A_76 : memref<1x112xi32, #tpu.memory_space<vmem>> -> memref<112xi32, #tpu.memory_space<vmem>>
      %dma_wait3A_78 = arith.constant 0 : i32
      %dma_wait3A_79 = arith.constant 0 : i32
      %dma_wait3A_80 = tpu.memref_slice %arg8[%dma_wait3A_78, %dma_wait3A_79] : memref<10008x16xf32, #tpu.memory_space<vmem_shared>> -> memref<10008x16xf32, #tpu.memory_space<vmem_shared>>
      tpu.wait_indirect_dma semaphore(%arg9 : memref<!tpu.dma_semaphore, #tpu.memory_space<semaphore_mem>>) src(%arg7 : memref<112x16xf32, #tpu.memory_space<vmem>>) dst(%dma_wait3A_80 : memref<10008x16xf32, #tpu.memory_space<vmem_shared>>)
      %add3A_81 = arith.constant 3 : i32
      %add3A_82 = arith.addi %add3A_26, %add3A_81 : i32
      %dma_wait3A_83 = arith.constant 0 : i32
      %dma_wait3A_84 = tpu.memref_slice %arg6[%add3A_82, %dma_wait3A_83] : memref<96x112xi32, #tpu.memory_space<vmem>> -> memref<1x112xi32, #tpu.memory_space<vmem>>
      %dma_wait3A_85 = tpu.memref_squeeze %dma_wait3A_84 : memref<1x112xi32, #tpu.memory_space<vmem>> -> memref<112xi32, #tpu.memory_space<vmem>>
      %dma_wait3A_86 = arith.constant 0 : i32
      %dma_wait3A_87 = arith.constant 0 : i32
      %dma_wait3A_88 = tpu.memref_slice %arg8[%dma_wait3A_86, %dma_wait3A_87] : memref<10008x16xf32, #tpu.memory_space<vmem_shared>> -> memref<10008x16xf32, #tpu.memory_space<vmem_shared>>
      tpu.wait_indirect_dma semaphore(%arg9 : memref<!tpu.dma_semaphore, #tpu.memory_space<semaphore_mem>>) src(%arg7 : memref<112x16xf32, #tpu.memory_space<vmem>>) dst(%dma_wait3A_88 : memref<10008x16xf32, #tpu.memory_space<vmem_shared>>)
    }
    %scan3A_10 = arith.constant 23 : i32
    %barrier3A_11 = arith.constant 0 : index
    tpu.barrier barrier_id(%barrier3A_11)
    %lt3A_12 = arith.constant 15 : i32
    %lt3A_13 = arith.cmpi slt, %arg1, %lt3A_12 : i32
    %convert_element_type3A_14 = arith.extui %lt3A_13 : i1 to i32
    %cond3A_15 = arith.constant 0 : i32
    %cond3A_16 = arith.cmpi ne, %convert_element_type3A_14, %cond3A_15 : i32
    scf.if %cond3A_16 {
      %mul3A_22 = arith.constant 632 : i32
      %mul3A_23 = arith.muli %arg1, %mul3A_22 : i32
      %mul3A_24 = arith.constant 632 : i32
      %mul3A_25 = arith.muli %arg1, %mul3A_24 : i32
      "tpu.region"() ({
        %run_scoped3A = tpu.sem_alloc : memref<!tpu.dma_semaphore, #tpu.memory_space<semaphore_mem>>
        %dma_start3A = arith.constant 0 : i32
        %dma_start3A_26 = tpu.memref_slice %arg5[%arg0, %mul3A_25, %dma_start3A] : memref<2x10000x16xf32, #tpu.memory_space<hbm>> -> memref<1x632x16xf32, #tpu.memory_space<hbm>>
        %dma_start3A_27 = tpu.memref_squeeze %dma_start3A_26 : memref<1x632x16xf32, #tpu.memory_space<hbm>> -> memref<632x16xf32, #tpu.memory_space<hbm>>
        %dma_start3A_28 = arith.constant 0 : i32
        %dma_start3A_29 = tpu.memref_slice %arg8[%mul3A_23, %dma_start3A_28] : memref<10008x16xf32, #tpu.memory_space<vmem_shared>> -> memref<632x16xf32, #tpu.memory_space<vmem_shared>>
        tpu.enqueue_dma source(%dma_start3A_29 : memref<632x16xf32, #tpu.memory_space<vmem_shared>>) target(%dma_start3A_27 : memref<632x16xf32, #tpu.memory_space<hbm>>) target_semaphore(%run_scoped3A : memref<!tpu.dma_semaphore, #tpu.memory_space<semaphore_mem>>)
        %dma_wait3A = arith.constant 0 : i32
        %dma_wait3A_30 = tpu.memref_slice %arg5[%arg0, %mul3A_25, %dma_wait3A] : memref<2x10000x16xf32, #tpu.memory_space<hbm>> -> memref<1x632x16xf32, #tpu.memory_space<hbm>>
        %dma_wait3A_31 = tpu.memref_squeeze %dma_wait3A_30 : memref<1x632x16xf32, #tpu.memory_space<hbm>> -> memref<632x16xf32, #tpu.memory_space<hbm>>
        %dma_wait3A_32 = arith.constant 0 : i32
        %dma_wait3A_33 = tpu.memref_slice %arg8[%mul3A_23, %dma_wait3A_32] : memref<10008x16xf32, #tpu.memory_space<vmem_shared>> -> memref<632x16xf32, #tpu.memory_space<vmem_shared>>
        tpu.wait_dma2 semaphore(%run_scoped3A : memref<!tpu.dma_semaphore, #tpu.memory_space<semaphore_mem>>) src(%dma_wait3A_33 : memref<632x16xf32, #tpu.memory_space<vmem_shared>>) dst(%dma_wait3A_31 : memref<632x16xf32, #tpu.memory_space<hbm>>)
        tpu.yield
      }) : () -> ()
    } else {
    }
    %eq3A_17 = arith.constant 15 : i32
    %eq3A_18 = arith.cmpi eq, %arg1, %eq3A_17 : i32
    %convert_element_type3A_19 = arith.extui %eq3A_18 : i1 to i32
    %cond3A_20 = arith.constant 0 : i32
    %cond3A_21 = arith.cmpi ne, %convert_element_type3A_19, %cond3A_20 : i32
    scf.if %cond3A_21 {
      "tpu.region"() ({
        %run_scoped3A = tpu.sem_alloc : memref<!tpu.dma_semaphore, #tpu.memory_space<semaphore_mem>>
        %dma_start3A = arith.constant 9480 : i32
        %dma_start3A_22 = arith.constant 0 : i32
        %dma_start3A_23 = tpu.memref_slice %arg5[%arg0, %dma_start3A, %dma_start3A_22] : memref<2x10000x16xf32, #tpu.memory_space<hbm>> -> memref<1x520x16xf32, #tpu.memory_space<hbm>>
        %dma_start3A_24 = tpu.memref_squeeze %dma_start3A_23 : memref<1x520x16xf32, #tpu.memory_space<hbm>> -> memref<520x16xf32, #tpu.memory_space<hbm>>
        %dma_start3A_25 = arith.constant 9480 : i32
        %dma_start3A_26 = arith.constant 0 : i32
        %dma_start3A_27 = tpu.memref_slice %arg8[%dma_start3A_25, %dma_start3A_26] : memref<10008x16xf32, #tpu.memory_space<vmem_shared>> -> memref<520x16xf32, #tpu.memory_space<vmem_shared>>
        tpu.enqueue_dma source(%dma_start3A_27 : memref<520x16xf32, #tpu.memory_space<vmem_shared>>) target(%dma_start3A_24 : memref<520x16xf32, #tpu.memory_space<hbm>>) target_semaphore(%run_scoped3A : memref<!tpu.dma_semaphore, #tpu.memory_space<semaphore_mem>>)
        %dma_wait3A = arith.constant 9480 : i32
        %dma_wait3A_28 = arith.constant 0 : i32
        %dma_wait3A_29 = tpu.memref_slice %arg5[%arg0, %dma_wait3A, %dma_wait3A_28] : memref<2x10000x16xf32, #tpu.memory_space<hbm>> -> memref<1x520x16xf32, #tpu.memory_space<hbm>>
        %dma_wait3A_30 = tpu.memref_squeeze %dma_wait3A_29 : memref<1x520x16xf32, #tpu.memory_space<hbm>> -> memref<520x16xf32, #tpu.memory_space<hbm>>
        %dma_wait3A_31 = arith.constant 9480 : i32
        %dma_wait3A_32 = arith.constant 0 : i32
        %dma_wait3A_33 = tpu.memref_slice %arg8[%dma_wait3A_31, %dma_wait3A_32] : memref<10008x16xf32, #tpu.memory_space<vmem_shared>> -> memref<520x16xf32, #tpu.memory_space<vmem_shared>>
        tpu.wait_dma2 semaphore(%run_scoped3A : memref<!tpu.dma_semaphore, #tpu.memory_space<semaphore_mem>>) src(%dma_wait3A_33 : memref<520x16xf32, #tpu.memory_space<vmem_shared>>) dst(%dma_wait3A_30 : memref<520x16xf32, #tpu.memory_space<hbm>>)
        tpu.yield
      }) : () -> ()
    } else {
    }
    return
  }
}

#map = affine_map<(d0, d1) -> (0, 0)>
#map1 = affine_map<(d0, d1) -> (0, 0, 0)>
module attributes {stable_mosaic.version = 14 : i64} {
  func.func @k(%arg0: i32, %arg1: i32, %arg2: memref<10000x128xf32, #tpu.memory_space<hbm>>, %arg3: memref<32x96x112xi32, #tpu.memory_space<hbm>>, %arg4: memref<32x96x112xi32, #tpu.memory_space<hbm>>, %arg5: memref<10008x128xf32, #tpu.memory_space<hbm>>, %arg6: memref<2x10000x128xf32, #tpu.memory_space<hbm>>, %arg7: memref<96x112xi32, #tpu.memory_space<vmem>>, %arg8: memref<96x112xi32, #tpu.memory_space<vmem>>, %arg9: memref<112x128xf32, #tpu.memory_space<vmem>>, %arg10: memref<112x128xf32, #tpu.memory_space<vmem>>, %arg11: memref<10008x128xf32, #tpu.memory_space<vmem_shared>>, %arg12: memref<!tpu.dma_semaphore, #tpu.memory_space<semaphore_mem>>, %arg13: memref<!tpu.dma_semaphore, #tpu.memory_space<semaphore_mem>>, %arg14: memref<!tpu.dma_semaphore, #tpu.memory_space<semaphore_mem>>, %arg15: memref<!tpu.dma_semaphore, #tpu.memory_space<semaphore_mem>>) attributes {dimension_semantics = [#tpu.dimension_semantics<core_parallel>, #tpu.dimension_semantics<subcore_parallel>], iteration_bounds = array<i64: 2, 16>, scalar_prefetch = 0 : i64, scratch_operands = 9 : i64, tpu.core_type = #tpu.core_type<sc_vector_subcore>, window_params = [{transform_indices = #map}, {transform_indices = #map1}, {transform_indices = #map1}, {transform_indices = #map}, {transform_indices = #map1}]} {
    %mul3A = arith.constant 16 : i32
    %mul3A_0 = arith.muli %arg0, %mul3A : i32
    %add3A = arith.addi %mul3A_0, %arg1 : i32
    "tpu.region"() ({
      %run_scoped3A = tpu.sem_alloc : memref<!tpu.dma_semaphore, #tpu.memory_space<semaphore_mem>>
      %dma_start3A = arith.constant 0 : i32
      %dma_start3A_22 = arith.constant 0 : i32
      %dma_start3A_23 = tpu.memref_slice %arg3[%add3A, %dma_start3A, %dma_start3A_22] : memref<32x96x112xi32, #tpu.memory_space<hbm>> -> memref<1x96x112xi32, #tpu.memory_space<hbm>>
      %dma_start3A_24 = tpu.memref_squeeze %dma_start3A_23 : memref<1x96x112xi32, #tpu.memory_space<hbm>> -> memref<96x112xi32, #tpu.memory_space<hbm>>
      %dma_start3A_25 = arith.constant 0 : i32
      %dma_start3A_26 = arith.constant 0 : i32
      %dma_start3A_27 = tpu.memref_slice %arg3[%add3A, %dma_start3A_25, %dma_start3A_26] : memref<32x96x112xi32, #tpu.memory_space<hbm>> -> memref<1x96x112xi32, #tpu.memory_space<hbm>>
      %dma_start3A_28 = tpu.memref_squeeze %dma_start3A_27 : memref<1x96x112xi32, #tpu.memory_space<hbm>> -> memref<96x112xi32, #tpu.memory_space<hbm>>
      tpu.enqueue_dma source(%dma_start3A_28 : memref<96x112xi32, #tpu.memory_space<hbm>>) target(%arg7 : memref<96x112xi32, #tpu.memory_space<vmem>>) target_semaphore(%run_scoped3A : memref<!tpu.dma_semaphore, #tpu.memory_space<semaphore_mem>>)
      %dma_wait3A = arith.constant 0 : i32
      %dma_wait3A_29 = arith.constant 0 : i32
      %dma_wait3A_30 = tpu.memref_slice %arg3[%add3A, %dma_wait3A, %dma_wait3A_29] : memref<32x96x112xi32, #tpu.memory_space<hbm>> -> memref<1x96x112xi32, #tpu.memory_space<hbm>>
      %dma_wait3A_31 = tpu.memref_squeeze %dma_wait3A_30 : memref<1x96x112xi32, #tpu.memory_space<hbm>> -> memref<96x112xi32, #tpu.memory_space<hbm>>
      %dma_wait3A_32 = arith.constant 0 : i32
      %dma_wait3A_33 = arith.constant 0 : i32
      %dma_wait3A_34 = tpu.memref_slice %arg3[%add3A, %dma_wait3A_32, %dma_wait3A_33] : memref<32x96x112xi32, #tpu.memory_space<hbm>> -> memref<1x96x112xi32, #tpu.memory_space<hbm>>
      %dma_wait3A_35 = tpu.memref_squeeze %dma_wait3A_34 : memref<1x96x112xi32, #tpu.memory_space<hbm>> -> memref<96x112xi32, #tpu.memory_space<hbm>>
      tpu.wait_dma2 semaphore(%run_scoped3A : memref<!tpu.dma_semaphore, #tpu.memory_space<semaphore_mem>>) src(%dma_wait3A_35 : memref<96x112xi32, #tpu.memory_space<hbm>>) dst(%arg7 : memref<96x112xi32, #tpu.memory_space<vmem>>)
      tpu.yield
    }) : () -> ()
    "tpu.region"() ({
      %run_scoped3A = tpu.sem_alloc : memref<!tpu.dma_semaphore, #tpu.memory_space<semaphore_mem>>
      %dma_start3A = arith.constant 0 : i32
      %dma_start3A_22 = arith.constant 0 : i32
      %dma_start3A_23 = tpu.memref_slice %arg4[%add3A, %dma_start3A, %dma_start3A_22] : memref<32x96x112xi32, #tpu.memory_space<hbm>> -> memref<1x96x112xi32, #tpu.memory_space<hbm>>
      %dma_start3A_24 = tpu.memref_squeeze %dma_start3A_23 : memref<1x96x112xi32, #tpu.memory_space<hbm>> -> memref<96x112xi32, #tpu.memory_space<hbm>>
      %dma_start3A_25 = arith.constant 0 : i32
      %dma_start3A_26 = arith.constant 0 : i32
      %dma_start3A_27 = tpu.memref_slice %arg4[%add3A, %dma_start3A_25, %dma_start3A_26] : memref<32x96x112xi32, #tpu.memory_space<hbm>> -> memref<1x96x112xi32, #tpu.memory_space<hbm>>
      %dma_start3A_28 = tpu.memref_squeeze %dma_start3A_27 : memref<1x96x112xi32, #tpu.memory_space<hbm>> -> memref<96x112xi32, #tpu.memory_space<hbm>>
      tpu.enqueue_dma source(%dma_start3A_28 : memref<96x112xi32, #tpu.memory_space<hbm>>) target(%arg8 : memref<96x112xi32, #tpu.memory_space<vmem>>) target_semaphore(%run_scoped3A : memref<!tpu.dma_semaphore, #tpu.memory_space<semaphore_mem>>)
      %dma_wait3A = arith.constant 0 : i32
      %dma_wait3A_29 = arith.constant 0 : i32
      %dma_wait3A_30 = tpu.memref_slice %arg4[%add3A, %dma_wait3A, %dma_wait3A_29] : memref<32x96x112xi32, #tpu.memory_space<hbm>> -> memref<1x96x112xi32, #tpu.memory_space<hbm>>
      %dma_wait3A_31 = tpu.memref_squeeze %dma_wait3A_30 : memref<1x96x112xi32, #tpu.memory_space<hbm>> -> memref<96x112xi32, #tpu.memory_space<hbm>>
      %dma_wait3A_32 = arith.constant 0 : i32
      %dma_wait3A_33 = arith.constant 0 : i32
      %dma_wait3A_34 = tpu.memref_slice %arg4[%add3A, %dma_wait3A_32, %dma_wait3A_33] : memref<32x96x112xi32, #tpu.memory_space<hbm>> -> memref<1x96x112xi32, #tpu.memory_space<hbm>>
      %dma_wait3A_35 = tpu.memref_squeeze %dma_wait3A_34 : memref<1x96x112xi32, #tpu.memory_space<hbm>> -> memref<96x112xi32, #tpu.memory_space<hbm>>
      tpu.wait_dma2 semaphore(%run_scoped3A : memref<!tpu.dma_semaphore, #tpu.memory_space<semaphore_mem>>) src(%dma_wait3A_35 : memref<96x112xi32, #tpu.memory_space<hbm>>) dst(%arg8 : memref<96x112xi32, #tpu.memory_space<vmem>>)
      tpu.yield
    }) : () -> ()
    %lt3A = arith.constant 15 : i32
    %lt3A_1 = arith.cmpi slt, %arg1, %lt3A : i32
    %convert_element_type3A = arith.extui %lt3A_1 : i1 to i32
    %cond3A = arith.constant 0 : i32
    %cond3A_2 = arith.cmpi ne, %convert_element_type3A, %cond3A : i32
    scf.if %cond3A_2 {
      %mul3A_22 = arith.constant 632 : i32
      %mul3A_23 = arith.muli %arg1, %mul3A_22 : i32
      %mul3A_24 = arith.constant 632 : i32
      %mul3A_25 = arith.muli %arg1, %mul3A_24 : i32
      "tpu.region"() ({
        %run_scoped3A = tpu.sem_alloc : memref<!tpu.dma_semaphore, #tpu.memory_space<semaphore_mem>>
        %dma_start3A = arith.constant 0 : i32
        %dma_start3A_26 = tpu.memref_slice %arg11[%mul3A_25, %dma_start3A] : memref<10008x128xf32, #tpu.memory_space<vmem_shared>> -> memref<632x128xf32, #tpu.memory_space<vmem_shared>>
        %dma_start3A_27 = arith.constant 0 : i32
        %dma_start3A_28 = tpu.memref_slice %arg5[%mul3A_23, %dma_start3A_27] : memref<10008x128xf32, #tpu.memory_space<hbm>> -> memref<632x128xf32, #tpu.memory_space<hbm>>
        tpu.enqueue_dma source(%dma_start3A_28 : memref<632x128xf32, #tpu.memory_space<hbm>>) target(%dma_start3A_26 : memref<632x128xf32, #tpu.memory_space<vmem_shared>>) target_semaphore(%run_scoped3A : memref<!tpu.dma_semaphore, #tpu.memory_space<semaphore_mem>>)
        %dma_wait3A = arith.constant 0 : i32
        %dma_wait3A_29 = tpu.memref_slice %arg11[%mul3A_25, %dma_wait3A] : memref<10008x128xf32, #tpu.memory_space<vmem_shared>> -> memref<632x128xf32, #tpu.memory_space<vmem_shared>>
        %dma_wait3A_30 = arith.constant 0 : i32
        %dma_wait3A_31 = tpu.memref_slice %arg5[%mul3A_23, %dma_wait3A_30] : memref<10008x128xf32, #tpu.memory_space<hbm>> -> memref<632x128xf32, #tpu.memory_space<hbm>>
        tpu.wait_dma2 semaphore(%run_scoped3A : memref<!tpu.dma_semaphore, #tpu.memory_space<semaphore_mem>>) src(%dma_wait3A_31 : memref<632x128xf32, #tpu.memory_space<hbm>>) dst(%dma_wait3A_29 : memref<632x128xf32, #tpu.memory_space<vmem_shared>>)
        tpu.yield
      }) : () -> ()
    } else {
    }
    %eq3A = arith.constant 15 : i32
    %eq3A_3 = arith.cmpi eq, %arg1, %eq3A : i32
    %convert_element_type3A_4 = arith.extui %eq3A_3 : i1 to i32
    %cond3A_5 = arith.constant 0 : i32
    %cond3A_6 = arith.cmpi ne, %convert_element_type3A_4, %cond3A_5 : i32
    scf.if %cond3A_6 {
      "tpu.region"() ({
        %run_scoped3A = tpu.sem_alloc : memref<!tpu.dma_semaphore, #tpu.memory_space<semaphore_mem>>
        %dma_start3A = arith.constant 9480 : i32
        %dma_start3A_22 = arith.constant 0 : i32
        %dma_start3A_23 = tpu.memref_slice %arg11[%dma_start3A, %dma_start3A_22] : memref<10008x128xf32, #tpu.memory_space<vmem_shared>> -> memref<528x128xf32, #tpu.memory_space<vmem_shared>>
        %dma_start3A_24 = arith.constant 9480 : i32
        %dma_start3A_25 = arith.constant 0 : i32
        %dma_start3A_26 = tpu.memref_slice %arg5[%dma_start3A_24, %dma_start3A_25] : memref<10008x128xf32, #tpu.memory_space<hbm>> -> memref<528x128xf32, #tpu.memory_space<hbm>>
        tpu.enqueue_dma source(%dma_start3A_26 : memref<528x128xf32, #tpu.memory_space<hbm>>) target(%dma_start3A_23 : memref<528x128xf32, #tpu.memory_space<vmem_shared>>) target_semaphore(%run_scoped3A : memref<!tpu.dma_semaphore, #tpu.memory_space<semaphore_mem>>)
        %dma_wait3A = arith.constant 9480 : i32
        %dma_wait3A_27 = arith.constant 0 : i32
        %dma_wait3A_28 = tpu.memref_slice %arg11[%dma_wait3A, %dma_wait3A_27] : memref<10008x128xf32, #tpu.memory_space<vmem_shared>> -> memref<528x128xf32, #tpu.memory_space<vmem_shared>>
        %dma_wait3A_29 = arith.constant 9480 : i32
        %dma_wait3A_30 = arith.constant 0 : i32
        %dma_wait3A_31 = tpu.memref_slice %arg5[%dma_wait3A_29, %dma_wait3A_30] : memref<10008x128xf32, #tpu.memory_space<hbm>> -> memref<528x128xf32, #tpu.memory_space<hbm>>
        tpu.wait_dma2 semaphore(%run_scoped3A : memref<!tpu.dma_semaphore, #tpu.memory_space<semaphore_mem>>) src(%dma_wait3A_31 : memref<528x128xf32, #tpu.memory_space<hbm>>) dst(%dma_wait3A_28 : memref<528x128xf32, #tpu.memory_space<vmem_shared>>)
        tpu.yield
      }) : () -> ()
    } else {
    }
    %barrier3A = arith.constant 0 : index
    tpu.barrier barrier_id(%barrier3A)
    %scan3A = arith.constant 0 : i32
    %scan3A_7 = arith.constant 46 : i32
    %scan3A_8 = arith.addi %scan3A, %scan3A_7 : i32
    %scan3A_9 = arith.constant 1 : i32
    scf.for %scan3A_22 = %scan3A to %scan3A_8 step %scan3A_9  : i32 {
      %mul3A_23 = arith.constant 2 : i32
      %mul3A_24 = arith.muli %scan3A_22, %mul3A_23 : i32
      %add3A_25 = arith.constant 0 : i32
      %add3A_26 = arith.addi %add3A_25, %mul3A_24 : i32
      %add3A_27 = arith.constant 0 : i32
      %add3A_28 = arith.addi %add3A_26, %add3A_27 : i32
      %dma_start3A = arith.constant 0 : i32
      %dma_start3A_29 = tpu.memref_slice %arg7[%add3A_28, %dma_start3A] : memref<96x112xi32, #tpu.memory_space<vmem>> -> memref<1x112xi32, #tpu.memory_space<vmem>>
      %dma_start3A_30 = tpu.memref_squeeze %dma_start3A_29 : memref<1x112xi32, #tpu.memory_space<vmem>> -> memref<112xi32, #tpu.memory_space<vmem>>
      %dma_start3A_31 = arith.constant 0 : i32
      %dma_start3A_32 = arith.constant 0 : i32
      %dma_start3A_33 = tpu.memref_slice %arg2[%dma_start3A_31, %dma_start3A_32] : memref<10000x128xf32, #tpu.memory_space<hbm>> -> memref<10000x128xf32, #tpu.memory_space<hbm>>
      tpu.enqueue_indirect_dma source(%dma_start3A_33 : memref<10000x128xf32, #tpu.memory_space<hbm>>) target(%arg9 : memref<112x128xf32, #tpu.memory_space<vmem>>) offsets(%dma_start3A_30 : memref<112xi32, #tpu.memory_space<vmem>>) semaphore(%arg12 : memref<!tpu.dma_semaphore, #tpu.memory_space<semaphore_mem>>)
      %add3A_34 = arith.constant 1 : i32
      %add3A_35 = arith.addi %add3A_26, %add3A_34 : i32
      %dma_start3A_36 = arith.constant 0 : i32
      %dma_start3A_37 = tpu.memref_slice %arg7[%add3A_35, %dma_start3A_36] : memref<96x112xi32, #tpu.memory_space<vmem>> -> memref<1x112xi32, #tpu.memory_space<vmem>>
      %dma_start3A_38 = tpu.memref_squeeze %dma_start3A_37 : memref<1x112xi32, #tpu.memory_space<vmem>> -> memref<112xi32, #tpu.memory_space<vmem>>
      %dma_start3A_39 = arith.constant 0 : i32
      %dma_start3A_40 = arith.constant 0 : i32
      %dma_start3A_41 = tpu.memref_slice %arg2[%dma_start3A_39, %dma_start3A_40] : memref<10000x128xf32, #tpu.memory_space<hbm>> -> memref<10000x128xf32, #tpu.memory_space<hbm>>
      tpu.enqueue_indirect_dma source(%dma_start3A_41 : memref<10000x128xf32, #tpu.memory_space<hbm>>) target(%arg10 : memref<112x128xf32, #tpu.memory_space<vmem>>) offsets(%dma_start3A_38 : memref<112xi32, #tpu.memory_space<vmem>>) semaphore(%arg13 : memref<!tpu.dma_semaphore, #tpu.memory_space<semaphore_mem>>)
      %dma_wait3A = arith.constant 0 : i32
      %dma_wait3A_42 = tpu.memref_slice %arg7[%add3A_28, %dma_wait3A] : memref<96x112xi32, #tpu.memory_space<vmem>> -> memref<1x112xi32, #tpu.memory_space<vmem>>
      %dma_wait3A_43 = tpu.memref_squeeze %dma_wait3A_42 : memref<1x112xi32, #tpu.memory_space<vmem>> -> memref<112xi32, #tpu.memory_space<vmem>>
      %dma_wait3A_44 = arith.constant 0 : i32
      %dma_wait3A_45 = arith.constant 0 : i32
      %dma_wait3A_46 = tpu.memref_slice %arg2[%dma_wait3A_44, %dma_wait3A_45] : memref<10000x128xf32, #tpu.memory_space<hbm>> -> memref<10000x128xf32, #tpu.memory_space<hbm>>
      tpu.wait_indirect_dma semaphore(%arg12 : memref<!tpu.dma_semaphore, #tpu.memory_space<semaphore_mem>>) src(%dma_wait3A_46 : memref<10000x128xf32, #tpu.memory_space<hbm>>) dst(%arg9 : memref<112x128xf32, #tpu.memory_space<vmem>>)
      %add3A_47 = arith.constant 0 : i32
      %add3A_48 = arith.addi %add3A_26, %add3A_47 : i32
      %dma_start3A_49 = arith.constant 0 : i32
      %dma_start3A_50 = tpu.memref_slice %arg8[%add3A_48, %dma_start3A_49] : memref<96x112xi32, #tpu.memory_space<vmem>> -> memref<1x112xi32, #tpu.memory_space<vmem>>
      %dma_start3A_51 = tpu.memref_squeeze %dma_start3A_50 : memref<1x112xi32, #tpu.memory_space<vmem>> -> memref<112xi32, #tpu.memory_space<vmem>>
      %dma_start3A_52 = arith.constant 0 : i32
      %dma_start3A_53 = arith.constant 0 : i32
      %dma_start3A_54 = tpu.memref_slice %arg11[%dma_start3A_52, %dma_start3A_53] : memref<10008x128xf32, #tpu.memory_space<vmem_shared>> -> memref<10008x128xf32, #tpu.memory_space<vmem_shared>>
      tpu.enqueue_indirect_dma source(%arg9 : memref<112x128xf32, #tpu.memory_space<vmem>>) target(%dma_start3A_54 : memref<10008x128xf32, #tpu.memory_space<vmem_shared>>) offsets(%dma_start3A_51 : memref<112xi32, #tpu.memory_space<vmem>>) semaphore(%arg14 : memref<!tpu.dma_semaphore, #tpu.memory_space<semaphore_mem>>) {add = true}
      %dma_wait3A_55 = arith.constant 0 : i32
      %dma_wait3A_56 = tpu.memref_slice %arg7[%add3A_35, %dma_wait3A_55] : memref<96x112xi32, #tpu.memory_space<vmem>> -> memref<1x112xi32, #tpu.memory_space<vmem>>
      %dma_wait3A_57 = tpu.memref_squeeze %dma_wait3A_56 : memref<1x112xi32, #tpu.memory_space<vmem>> -> memref<112xi32, #tpu.memory_space<vmem>>
      %dma_wait3A_58 = arith.constant 0 : i32
      %dma_wait3A_59 = arith.constant 0 : i32
      %dma_wait3A_60 = tpu.memref_slice %arg2[%dma_wait3A_58, %dma_wait3A_59] : memref<10000x128xf32, #tpu.memory_space<hbm>> -> memref<10000x128xf32, #tpu.memory_space<hbm>>
      tpu.wait_indirect_dma semaphore(%arg13 : memref<!tpu.dma_semaphore, #tpu.memory_space<semaphore_mem>>) src(%dma_wait3A_60 : memref<10000x128xf32, #tpu.memory_space<hbm>>) dst(%arg10 : memref<112x128xf32, #tpu.memory_space<vmem>>)
      %add3A_61 = arith.constant 1 : i32
      %add3A_62 = arith.addi %add3A_26, %add3A_61 : i32
      %dma_start3A_63 = arith.constant 0 : i32
      %dma_start3A_64 = tpu.memref_slice %arg8[%add3A_62, %dma_start3A_63] : memref<96x112xi32, #tpu.memory_space<vmem>> -> memref<1x112xi32, #tpu.memory_space<vmem>>
      %dma_start3A_65 = tpu.memref_squeeze %dma_start3A_64 : memref<1x112xi32, #tpu.memory_space<vmem>> -> memref<112xi32, #tpu.memory_space<vmem>>
      %dma_start3A_66 = arith.constant 0 : i32
      %dma_start3A_67 = arith.constant 0 : i32
      %dma_start3A_68 = tpu.memref_slice %arg11[%dma_start3A_66, %dma_start3A_67] : memref<10008x128xf32, #tpu.memory_space<vmem_shared>> -> memref<10008x128xf32, #tpu.memory_space<vmem_shared>>
      tpu.enqueue_indirect_dma source(%arg10 : memref<112x128xf32, #tpu.memory_space<vmem>>) target(%dma_start3A_68 : memref<10008x128xf32, #tpu.memory_space<vmem_shared>>) offsets(%dma_start3A_65 : memref<112xi32, #tpu.memory_space<vmem>>) semaphore(%arg15 : memref<!tpu.dma_semaphore, #tpu.memory_space<semaphore_mem>>) {add = true}
      %dma_wait3A_69 = arith.constant 0 : i32
      %dma_wait3A_70 = tpu.memref_slice %arg8[%add3A_48, %dma_wait3A_69] : memref<96x112xi32, #tpu.memory_space<vmem>> -> memref<1x112xi32, #tpu.memory_space<vmem>>
      %dma_wait3A_71 = tpu.memref_squeeze %dma_wait3A_70 : memref<1x112xi32, #tpu.memory_space<vmem>> -> memref<112xi32, #tpu.memory_space<vmem>>
      %dma_wait3A_72 = arith.constant 0 : i32
      %dma_wait3A_73 = arith.constant 0 : i32
      %dma_wait3A_74 = tpu.memref_slice %arg11[%dma_wait3A_72, %dma_wait3A_73] : memref<10008x128xf32, #tpu.memory_space<vmem_shared>> -> memref<10008x128xf32, #tpu.memory_space<vmem_shared>>
      tpu.wait_indirect_dma semaphore(%arg14 : memref<!tpu.dma_semaphore, #tpu.memory_space<semaphore_mem>>) src(%arg9 : memref<112x128xf32, #tpu.memory_space<vmem>>) dst(%dma_wait3A_74 : memref<10008x128xf32, #tpu.memory_space<vmem_shared>>)
      %dma_wait3A_75 = arith.constant 0 : i32
      %dma_wait3A_76 = tpu.memref_slice %arg8[%add3A_62, %dma_wait3A_75] : memref<96x112xi32, #tpu.memory_space<vmem>> -> memref<1x112xi32, #tpu.memory_space<vmem>>
      %dma_wait3A_77 = tpu.memref_squeeze %dma_wait3A_76 : memref<1x112xi32, #tpu.memory_space<vmem>> -> memref<112xi32, #tpu.memory_space<vmem>>
      %dma_wait3A_78 = arith.constant 0 : i32
      %dma_wait3A_79 = arith.constant 0 : i32
      %dma_wait3A_80 = tpu.memref_slice %arg11[%dma_wait3A_78, %dma_wait3A_79] : memref<10008x128xf32, #tpu.memory_space<vmem_shared>> -> memref<10008x128xf32, #tpu.memory_space<vmem_shared>>
      tpu.wait_indirect_dma semaphore(%arg15 : memref<!tpu.dma_semaphore, #tpu.memory_space<semaphore_mem>>) src(%arg10 : memref<112x128xf32, #tpu.memory_space<vmem>>) dst(%dma_wait3A_80 : memref<10008x128xf32, #tpu.memory_space<vmem_shared>>)
    }
    %scan3A_10 = arith.constant 46 : i32
    %barrier3A_11 = arith.constant 0 : index
    tpu.barrier barrier_id(%barrier3A_11)
    %lt3A_12 = arith.constant 15 : i32
    %lt3A_13 = arith.cmpi slt, %arg1, %lt3A_12 : i32
    %convert_element_type3A_14 = arith.extui %lt3A_13 : i1 to i32
    %cond3A_15 = arith.constant 0 : i32
    %cond3A_16 = arith.cmpi ne, %convert_element_type3A_14, %cond3A_15 : i32
    scf.if %cond3A_16 {
      %mul3A_22 = arith.constant 632 : i32
      %mul3A_23 = arith.muli %arg1, %mul3A_22 : i32
      %mul3A_24 = arith.constant 632 : i32
      %mul3A_25 = arith.muli %arg1, %mul3A_24 : i32
      "tpu.region"() ({
        %run_scoped3A = tpu.sem_alloc : memref<!tpu.dma_semaphore, #tpu.memory_space<semaphore_mem>>
        %dma_start3A = arith.constant 0 : i32
        %dma_start3A_26 = tpu.memref_slice %arg6[%arg0, %mul3A_25, %dma_start3A] : memref<2x10000x128xf32, #tpu.memory_space<hbm>> -> memref<1x632x128xf32, #tpu.memory_space<hbm>>
        %dma_start3A_27 = tpu.memref_squeeze %dma_start3A_26 : memref<1x632x128xf32, #tpu.memory_space<hbm>> -> memref<632x128xf32, #tpu.memory_space<hbm>>
        %dma_start3A_28 = arith.constant 0 : i32
        %dma_start3A_29 = tpu.memref_slice %arg11[%mul3A_23, %dma_start3A_28] : memref<10008x128xf32, #tpu.memory_space<vmem_shared>> -> memref<632x128xf32, #tpu.memory_space<vmem_shared>>
        tpu.enqueue_dma source(%dma_start3A_29 : memref<632x128xf32, #tpu.memory_space<vmem_shared>>) target(%dma_start3A_27 : memref<632x128xf32, #tpu.memory_space<hbm>>) target_semaphore(%run_scoped3A : memref<!tpu.dma_semaphore, #tpu.memory_space<semaphore_mem>>)
        %dma_wait3A = arith.constant 0 : i32
        %dma_wait3A_30 = tpu.memref_slice %arg6[%arg0, %mul3A_25, %dma_wait3A] : memref<2x10000x128xf32, #tpu.memory_space<hbm>> -> memref<1x632x128xf32, #tpu.memory_space<hbm>>
        %dma_wait3A_31 = tpu.memref_squeeze %dma_wait3A_30 : memref<1x632x128xf32, #tpu.memory_space<hbm>> -> memref<632x128xf32, #tpu.memory_space<hbm>>
        %dma_wait3A_32 = arith.constant 0 : i32
        %dma_wait3A_33 = tpu.memref_slice %arg11[%mul3A_23, %dma_wait3A_32] : memref<10008x128xf32, #tpu.memory_space<vmem_shared>> -> memref<632x128xf32, #tpu.memory_space<vmem_shared>>
        tpu.wait_dma2 semaphore(%run_scoped3A : memref<!tpu.dma_semaphore, #tpu.memory_space<semaphore_mem>>) src(%dma_wait3A_33 : memref<632x128xf32, #tpu.memory_space<vmem_shared>>) dst(%dma_wait3A_31 : memref<632x128xf32, #tpu.memory_space<hbm>>)
        tpu.yield
      }) : () -> ()
    } else {
    }
    %eq3A_17 = arith.constant 15 : i32
    %eq3A_18 = arith.cmpi eq, %arg1, %eq3A_17 : i32
    %convert_element_type3A_19 = arith.extui %eq3A_18 : i1 to i32
    %cond3A_20 = arith.constant 0 : i32
    %cond3A_21 = arith.cmpi ne, %convert_element_type3A_19, %cond3A_20 : i32
    scf.if %cond3A_21 {
      "tpu.region"() ({
        %run_scoped3A = tpu.sem_alloc : memref<!tpu.dma_semaphore, #tpu.memory_space<semaphore_mem>>
        %dma_start3A = arith.constant 9480 : i32
        %dma_start3A_22 = arith.constant 0 : i32
        %dma_start3A_23 = tpu.memref_slice %arg6[%arg0, %dma_start3A, %dma_start3A_22] : memref<2x10000x128xf32, #tpu.memory_space<hbm>> -> memref<1x520x128xf32, #tpu.memory_space<hbm>>
        %dma_start3A_24 = tpu.memref_squeeze %dma_start3A_23 : memref<1x520x128xf32, #tpu.memory_space<hbm>> -> memref<520x128xf32, #tpu.memory_space<hbm>>
        %dma_start3A_25 = arith.constant 9480 : i32
        %dma_start3A_26 = arith.constant 0 : i32
        %dma_start3A_27 = tpu.memref_slice %arg11[%dma_start3A_25, %dma_start3A_26] : memref<10008x128xf32, #tpu.memory_space<vmem_shared>> -> memref<520x128xf32, #tpu.memory_space<vmem_shared>>
        tpu.enqueue_dma source(%dma_start3A_27 : memref<520x128xf32, #tpu.memory_space<vmem_shared>>) target(%dma_start3A_24 : memref<520x128xf32, #tpu.memory_space<hbm>>) target_semaphore(%run_scoped3A : memref<!tpu.dma_semaphore, #tpu.memory_space<semaphore_mem>>)
        %dma_wait3A = arith.constant 9480 : i32
        %dma_wait3A_28 = arith.constant 0 : i32
        %dma_wait3A_29 = tpu.memref_slice %arg6[%arg0, %dma_wait3A, %dma_wait3A_28] : memref<2x10000x128xf32, #tpu.memory_space<hbm>> -> memref<1x520x128xf32, #tpu.memory_space<hbm>>
        %dma_wait3A_30 = tpu.memref_squeeze %dma_wait3A_29 : memref<1x520x128xf32, #tpu.memory_space<hbm>> -> memref<520x128xf32, #tpu.memory_space<hbm>>
        %dma_wait3A_31 = arith.constant 9480 : i32
        %dma_wait3A_32 = arith.constant 0 : i32
        %dma_wait3A_33 = tpu.memref_slice %arg11[%dma_wait3A_31, %dma_wait3A_32] : memref<10008x128xf32, #tpu.memory_space<vmem_shared>> -> memref<520x128xf32, #tpu.memory_space<vmem_shared>>
        tpu.wait_dma2 semaphore(%run_scoped3A : memref<!tpu.dma_semaphore, #tpu.memory_space<semaphore_mem>>) src(%dma_wait3A_33 : memref<520x128xf32, #tpu.memory_space<vmem_shared>>) dst(%dma_wait3A_30 : memref<520x128xf32, #tpu.memory_space<hbm>>)
        tpu.yield
      }) : () -> ()
    } else {
    }
    return
  }
}

#map = affine_map<(d0, d1) -> (0, 0)>
#map1 = affine_map<(d0, d1) -> (0, 0, 0)>
module attributes {stable_mosaic.version = 14 : i64} {
  func.func @k(%arg0: i32, %arg1: i32, %arg2: memref<10000x64xf32, #tpu.memory_space<hbm>>, %arg3: memref<32x96x112xi32, #tpu.memory_space<hbm>>, %arg4: memref<32x96x112xi32, #tpu.memory_space<hbm>>, %arg5: memref<10008x64xf32, #tpu.memory_space<hbm>>, %arg6: memref<2x10000x64xf32, #tpu.memory_space<hbm>>, %arg7: memref<96x112xi32, #tpu.memory_space<vmem>>, %arg8: memref<96x112xi32, #tpu.memory_space<vmem>>, %arg9: memref<112x64xf32, #tpu.memory_space<vmem>>, %arg10: memref<112x64xf32, #tpu.memory_space<vmem>>, %arg11: memref<112x64xf32, #tpu.memory_space<vmem>>, %arg12: memref<112x64xf32, #tpu.memory_space<vmem>>, %arg13: memref<10008x64xf32, #tpu.memory_space<vmem_shared>>, %arg14: memref<!tpu.dma_semaphore, #tpu.memory_space<semaphore_mem>>, %arg15: memref<!tpu.dma_semaphore, #tpu.memory_space<semaphore_mem>>, %arg16: memref<!tpu.dma_semaphore, #tpu.memory_space<semaphore_mem>>, %arg17: memref<!tpu.dma_semaphore, #tpu.memory_space<semaphore_mem>>, %arg18: memref<!tpu.dma_semaphore, #tpu.memory_space<semaphore_mem>>, %arg19: memref<!tpu.dma_semaphore, #tpu.memory_space<semaphore_mem>>, %arg20: memref<!tpu.dma_semaphore, #tpu.memory_space<semaphore_mem>>, %arg21: memref<!tpu.dma_semaphore, #tpu.memory_space<semaphore_mem>>) attributes {dimension_semantics = [#tpu.dimension_semantics<core_parallel>, #tpu.dimension_semantics<subcore_parallel>], iteration_bounds = array<i64: 2, 16>, scalar_prefetch = 0 : i64, scratch_operands = 15 : i64, tpu.core_type = #tpu.core_type<sc_vector_subcore>, window_params = [{transform_indices = #map}, {transform_indices = #map1}, {transform_indices = #map1}, {transform_indices = #map}, {transform_indices = #map1}]} {
    %mul3A = arith.constant 16 : i32
    %mul3A_0 = arith.muli %arg0, %mul3A : i32
    %add3A = arith.addi %mul3A_0, %arg1 : i32
    "tpu.region"() ({
      %run_scoped3A = tpu.sem_alloc : memref<!tpu.dma_semaphore, #tpu.memory_space<semaphore_mem>>
      %dma_start3A = arith.constant 0 : i32
      %dma_start3A_22 = arith.constant 0 : i32
      %dma_start3A_23 = tpu.memref_slice %arg3[%add3A, %dma_start3A, %dma_start3A_22] : memref<32x96x112xi32, #tpu.memory_space<hbm>> -> memref<1x96x112xi32, #tpu.memory_space<hbm>>
      %dma_start3A_24 = tpu.memref_squeeze %dma_start3A_23 : memref<1x96x112xi32, #tpu.memory_space<hbm>> -> memref<96x112xi32, #tpu.memory_space<hbm>>
      %dma_start3A_25 = arith.constant 0 : i32
      %dma_start3A_26 = arith.constant 0 : i32
      %dma_start3A_27 = tpu.memref_slice %arg3[%add3A, %dma_start3A_25, %dma_start3A_26] : memref<32x96x112xi32, #tpu.memory_space<hbm>> -> memref<1x96x112xi32, #tpu.memory_space<hbm>>
      %dma_start3A_28 = tpu.memref_squeeze %dma_start3A_27 : memref<1x96x112xi32, #tpu.memory_space<hbm>> -> memref<96x112xi32, #tpu.memory_space<hbm>>
      tpu.enqueue_dma source(%dma_start3A_28 : memref<96x112xi32, #tpu.memory_space<hbm>>) target(%arg7 : memref<96x112xi32, #tpu.memory_space<vmem>>) target_semaphore(%run_scoped3A : memref<!tpu.dma_semaphore, #tpu.memory_space<semaphore_mem>>)
      %dma_wait3A = arith.constant 0 : i32
      %dma_wait3A_29 = arith.constant 0 : i32
      %dma_wait3A_30 = tpu.memref_slice %arg3[%add3A, %dma_wait3A, %dma_wait3A_29] : memref<32x96x112xi32, #tpu.memory_space<hbm>> -> memref<1x96x112xi32, #tpu.memory_space<hbm>>
      %dma_wait3A_31 = tpu.memref_squeeze %dma_wait3A_30 : memref<1x96x112xi32, #tpu.memory_space<hbm>> -> memref<96x112xi32, #tpu.memory_space<hbm>>
      %dma_wait3A_32 = arith.constant 0 : i32
      %dma_wait3A_33 = arith.constant 0 : i32
      %dma_wait3A_34 = tpu.memref_slice %arg3[%add3A, %dma_wait3A_32, %dma_wait3A_33] : memref<32x96x112xi32, #tpu.memory_space<hbm>> -> memref<1x96x112xi32, #tpu.memory_space<hbm>>
      %dma_wait3A_35 = tpu.memref_squeeze %dma_wait3A_34 : memref<1x96x112xi32, #tpu.memory_space<hbm>> -> memref<96x112xi32, #tpu.memory_space<hbm>>
      tpu.wait_dma2 semaphore(%run_scoped3A : memref<!tpu.dma_semaphore, #tpu.memory_space<semaphore_mem>>) src(%dma_wait3A_35 : memref<96x112xi32, #tpu.memory_space<hbm>>) dst(%arg7 : memref<96x112xi32, #tpu.memory_space<vmem>>)
      tpu.yield
    }) : () -> ()
    "tpu.region"() ({
      %run_scoped3A = tpu.sem_alloc : memref<!tpu.dma_semaphore, #tpu.memory_space<semaphore_mem>>
      %dma_start3A = arith.constant 0 : i32
      %dma_start3A_22 = arith.constant 0 : i32
      %dma_start3A_23 = tpu.memref_slice %arg4[%add3A, %dma_start3A, %dma_start3A_22] : memref<32x96x112xi32, #tpu.memory_space<hbm>> -> memref<1x96x112xi32, #tpu.memory_space<hbm>>
      %dma_start3A_24 = tpu.memref_squeeze %dma_start3A_23 : memref<1x96x112xi32, #tpu.memory_space<hbm>> -> memref<96x112xi32, #tpu.memory_space<hbm>>
      %dma_start3A_25 = arith.constant 0 : i32
      %dma_start3A_26 = arith.constant 0 : i32
      %dma_start3A_27 = tpu.memref_slice %arg4[%add3A, %dma_start3A_25, %dma_start3A_26] : memref<32x96x112xi32, #tpu.memory_space<hbm>> -> memref<1x96x112xi32, #tpu.memory_space<hbm>>
      %dma_start3A_28 = tpu.memref_squeeze %dma_start3A_27 : memref<1x96x112xi32, #tpu.memory_space<hbm>> -> memref<96x112xi32, #tpu.memory_space<hbm>>
      tpu.enqueue_dma source(%dma_start3A_28 : memref<96x112xi32, #tpu.memory_space<hbm>>) target(%arg8 : memref<96x112xi32, #tpu.memory_space<vmem>>) target_semaphore(%run_scoped3A : memref<!tpu.dma_semaphore, #tpu.memory_space<semaphore_mem>>)
      %dma_wait3A = arith.constant 0 : i32
      %dma_wait3A_29 = arith.constant 0 : i32
      %dma_wait3A_30 = tpu.memref_slice %arg4[%add3A, %dma_wait3A, %dma_wait3A_29] : memref<32x96x112xi32, #tpu.memory_space<hbm>> -> memref<1x96x112xi32, #tpu.memory_space<hbm>>
      %dma_wait3A_31 = tpu.memref_squeeze %dma_wait3A_30 : memref<1x96x112xi32, #tpu.memory_space<hbm>> -> memref<96x112xi32, #tpu.memory_space<hbm>>
      %dma_wait3A_32 = arith.constant 0 : i32
      %dma_wait3A_33 = arith.constant 0 : i32
      %dma_wait3A_34 = tpu.memref_slice %arg4[%add3A, %dma_wait3A_32, %dma_wait3A_33] : memref<32x96x112xi32, #tpu.memory_space<hbm>> -> memref<1x96x112xi32, #tpu.memory_space<hbm>>
      %dma_wait3A_35 = tpu.memref_squeeze %dma_wait3A_34 : memref<1x96x112xi32, #tpu.memory_space<hbm>> -> memref<96x112xi32, #tpu.memory_space<hbm>>
      tpu.wait_dma2 semaphore(%run_scoped3A : memref<!tpu.dma_semaphore, #tpu.memory_space<semaphore_mem>>) src(%dma_wait3A_35 : memref<96x112xi32, #tpu.memory_space<hbm>>) dst(%arg8 : memref<96x112xi32, #tpu.memory_space<vmem>>)
      tpu.yield
    }) : () -> ()
    %lt3A = arith.constant 15 : i32
    %lt3A_1 = arith.cmpi slt, %arg1, %lt3A : i32
    %convert_element_type3A = arith.extui %lt3A_1 : i1 to i32
    %cond3A = arith.constant 0 : i32
    %cond3A_2 = arith.cmpi ne, %convert_element_type3A, %cond3A : i32
    scf.if %cond3A_2 {
      %mul3A_22 = arith.constant 632 : i32
      %mul3A_23 = arith.muli %arg1, %mul3A_22 : i32
      %mul3A_24 = arith.constant 632 : i32
      %mul3A_25 = arith.muli %arg1, %mul3A_24 : i32
      "tpu.region"() ({
        %run_scoped3A = tpu.sem_alloc : memref<!tpu.dma_semaphore, #tpu.memory_space<semaphore_mem>>
        %dma_start3A = arith.constant 0 : i32
        %dma_start3A_26 = tpu.memref_slice %arg13[%mul3A_25, %dma_start3A] : memref<10008x64xf32, #tpu.memory_space<vmem_shared>> -> memref<632x64xf32, #tpu.memory_space<vmem_shared>>
        %dma_start3A_27 = arith.constant 0 : i32
        %dma_start3A_28 = tpu.memref_slice %arg5[%mul3A_23, %dma_start3A_27] : memref<10008x64xf32, #tpu.memory_space<hbm>> -> memref<632x64xf32, #tpu.memory_space<hbm>>
        tpu.enqueue_dma source(%dma_start3A_28 : memref<632x64xf32, #tpu.memory_space<hbm>>) target(%dma_start3A_26 : memref<632x64xf32, #tpu.memory_space<vmem_shared>>) target_semaphore(%run_scoped3A : memref<!tpu.dma_semaphore, #tpu.memory_space<semaphore_mem>>)
        %dma_wait3A = arith.constant 0 : i32
        %dma_wait3A_29 = tpu.memref_slice %arg13[%mul3A_25, %dma_wait3A] : memref<10008x64xf32, #tpu.memory_space<vmem_shared>> -> memref<632x64xf32, #tpu.memory_space<vmem_shared>>
        %dma_wait3A_30 = arith.constant 0 : i32
        %dma_wait3A_31 = tpu.memref_slice %arg5[%mul3A_23, %dma_wait3A_30] : memref<10008x64xf32, #tpu.memory_space<hbm>> -> memref<632x64xf32, #tpu.memory_space<hbm>>
        tpu.wait_dma2 semaphore(%run_scoped3A : memref<!tpu.dma_semaphore, #tpu.memory_space<semaphore_mem>>) src(%dma_wait3A_31 : memref<632x64xf32, #tpu.memory_space<hbm>>) dst(%dma_wait3A_29 : memref<632x64xf32, #tpu.memory_space<vmem_shared>>)
        tpu.yield
      }) : () -> ()
    } else {
    }
    %eq3A = arith.constant 15 : i32
    %eq3A_3 = arith.cmpi eq, %arg1, %eq3A : i32
    %convert_element_type3A_4 = arith.extui %eq3A_3 : i1 to i32
    %cond3A_5 = arith.constant 0 : i32
    %cond3A_6 = arith.cmpi ne, %convert_element_type3A_4, %cond3A_5 : i32
    scf.if %cond3A_6 {
      "tpu.region"() ({
        %run_scoped3A = tpu.sem_alloc : memref<!tpu.dma_semaphore, #tpu.memory_space<semaphore_mem>>
        %dma_start3A = arith.constant 9480 : i32
        %dma_start3A_22 = arith.constant 0 : i32
        %dma_start3A_23 = tpu.memref_slice %arg13[%dma_start3A, %dma_start3A_22] : memref<10008x64xf32, #tpu.memory_space<vmem_shared>> -> memref<528x64xf32, #tpu.memory_space<vmem_shared>>
        %dma_start3A_24 = arith.constant 9480 : i32
        %dma_start3A_25 = arith.constant 0 : i32
        %dma_start3A_26 = tpu.memref_slice %arg5[%dma_start3A_24, %dma_start3A_25] : memref<10008x64xf32, #tpu.memory_space<hbm>> -> memref<528x64xf32, #tpu.memory_space<hbm>>
        tpu.enqueue_dma source(%dma_start3A_26 : memref<528x64xf32, #tpu.memory_space<hbm>>) target(%dma_start3A_23 : memref<528x64xf32, #tpu.memory_space<vmem_shared>>) target_semaphore(%run_scoped3A : memref<!tpu.dma_semaphore, #tpu.memory_space<semaphore_mem>>)
        %dma_wait3A = arith.constant 9480 : i32
        %dma_wait3A_27 = arith.constant 0 : i32
        %dma_wait3A_28 = tpu.memref_slice %arg13[%dma_wait3A, %dma_wait3A_27] : memref<10008x64xf32, #tpu.memory_space<vmem_shared>> -> memref<528x64xf32, #tpu.memory_space<vmem_shared>>
        %dma_wait3A_29 = arith.constant 9480 : i32
        %dma_wait3A_30 = arith.constant 0 : i32
        %dma_wait3A_31 = tpu.memref_slice %arg5[%dma_wait3A_29, %dma_wait3A_30] : memref<10008x64xf32, #tpu.memory_space<hbm>> -> memref<528x64xf32, #tpu.memory_space<hbm>>
        tpu.wait_dma2 semaphore(%run_scoped3A : memref<!tpu.dma_semaphore, #tpu.memory_space<semaphore_mem>>) src(%dma_wait3A_31 : memref<528x64xf32, #tpu.memory_space<hbm>>) dst(%dma_wait3A_28 : memref<528x64xf32, #tpu.memory_space<vmem_shared>>)
        tpu.yield
      }) : () -> ()
    } else {
    }
    %barrier3A = arith.constant 0 : index
    tpu.barrier barrier_id(%barrier3A)
    %scan3A = arith.constant 0 : i32
    %scan3A_7 = arith.constant 23 : i32
    %scan3A_8 = arith.addi %scan3A, %scan3A_7 : i32
    %scan3A_9 = arith.constant 1 : i32
    scf.for %scan3A_22 = %scan3A to %scan3A_8 step %scan3A_9  : i32 {
      %mul3A_23 = arith.constant 4 : i32
      %mul3A_24 = arith.muli %scan3A_22, %mul3A_23 : i32
      %add3A_25 = arith.constant 0 : i32
      %add3A_26 = arith.addi %add3A_25, %mul3A_24 : i32
      %add3A_27 = arith.constant 0 : i32
      %add3A_28 = arith.addi %add3A_26, %add3A_27 : i32
      %dma_start3A = arith.constant 0 : i32
      %dma_start3A_29 = tpu.memref_slice %arg7[%add3A_28, %dma_start3A] : memref<96x112xi32, #tpu.memory_space<vmem>> -> memref<1x112xi32, #tpu.memory_space<vmem>>
      %dma_start3A_30 = tpu.memref_squeeze %dma_start3A_29 : memref<1x112xi32, #tpu.memory_space<vmem>> -> memref<112xi32, #tpu.memory_space<vmem>>
      %dma_start3A_31 = arith.constant 0 : i32
      %dma_start3A_32 = arith.constant 0 : i32
      %dma_start3A_33 = tpu.memref_slice %arg2[%dma_start3A_31, %dma_start3A_32] : memref<10000x64xf32, #tpu.memory_space<hbm>> -> memref<10000x64xf32, #tpu.memory_space<hbm>>
      tpu.enqueue_indirect_dma source(%dma_start3A_33 : memref<10000x64xf32, #tpu.memory_space<hbm>>) target(%arg9 : memref<112x64xf32, #tpu.memory_space<vmem>>) offsets(%dma_start3A_30 : memref<112xi32, #tpu.memory_space<vmem>>) semaphore(%arg14 : memref<!tpu.dma_semaphore, #tpu.memory_space<semaphore_mem>>)
      %add3A_34 = arith.constant 1 : i32
      %add3A_35 = arith.addi %add3A_26, %add3A_34 : i32
      %dma_start3A_36 = arith.constant 0 : i32
      %dma_start3A_37 = tpu.memref_slice %arg7[%add3A_35, %dma_start3A_36] : memref<96x112xi32, #tpu.memory_space<vmem>> -> memref<1x112xi32, #tpu.memory_space<vmem>>
      %dma_start3A_38 = tpu.memref_squeeze %dma_start3A_37 : memref<1x112xi32, #tpu.memory_space<vmem>> -> memref<112xi32, #tpu.memory_space<vmem>>
      %dma_start3A_39 = arith.constant 0 : i32
      %dma_start3A_40 = arith.constant 0 : i32
      %dma_start3A_41 = tpu.memref_slice %arg2[%dma_start3A_39, %dma_start3A_40] : memref<10000x64xf32, #tpu.memory_space<hbm>> -> memref<10000x64xf32, #tpu.memory_space<hbm>>
      tpu.enqueue_indirect_dma source(%dma_start3A_41 : memref<10000x64xf32, #tpu.memory_space<hbm>>) target(%arg10 : memref<112x64xf32, #tpu.memory_space<vmem>>) offsets(%dma_start3A_38 : memref<112xi32, #tpu.memory_space<vmem>>) semaphore(%arg15 : memref<!tpu.dma_semaphore, #tpu.memory_space<semaphore_mem>>)
      %add3A_42 = arith.constant 2 : i32
      %add3A_43 = arith.addi %add3A_26, %add3A_42 : i32
      %dma_start3A_44 = arith.constant 0 : i32
      %dma_start3A_45 = tpu.memref_slice %arg7[%add3A_43, %dma_start3A_44] : memref<96x112xi32, #tpu.memory_space<vmem>> -> memref<1x112xi32, #tpu.memory_space<vmem>>
      %dma_start3A_46 = tpu.memref_squeeze %dma_start3A_45 : memref<1x112xi32, #tpu.memory_space<vmem>> -> memref<112xi32, #tpu.memory_space<vmem>>
      %dma_start3A_47 = arith.constant 0 : i32
      %dma_start3A_48 = arith.constant 0 : i32
      %dma_start3A_49 = tpu.memref_slice %arg2[%dma_start3A_47, %dma_start3A_48] : memref<10000x64xf32, #tpu.memory_space<hbm>> -> memref<10000x64xf32, #tpu.memory_space<hbm>>
      tpu.enqueue_indirect_dma source(%dma_start3A_49 : memref<10000x64xf32, #tpu.memory_space<hbm>>) target(%arg11 : memref<112x64xf32, #tpu.memory_space<vmem>>) offsets(%dma_start3A_46 : memref<112xi32, #tpu.memory_space<vmem>>) semaphore(%arg16 : memref<!tpu.dma_semaphore, #tpu.memory_space<semaphore_mem>>)
      %add3A_50 = arith.constant 3 : i32
      %add3A_51 = arith.addi %add3A_26, %add3A_50 : i32
      %dma_start3A_52 = arith.constant 0 : i32
      %dma_start3A_53 = tpu.memref_slice %arg7[%add3A_51, %dma_start3A_52] : memref<96x112xi32, #tpu.memory_space<vmem>> -> memref<1x112xi32, #tpu.memory_space<vmem>>
      %dma_start3A_54 = tpu.memref_squeeze %dma_start3A_53 : memref<1x112xi32, #tpu.memory_space<vmem>> -> memref<112xi32, #tpu.memory_space<vmem>>
      %dma_start3A_55 = arith.constant 0 : i32
      %dma_start3A_56 = arith.constant 0 : i32
      %dma_start3A_57 = tpu.memref_slice %arg2[%dma_start3A_55, %dma_start3A_56] : memref<10000x64xf32, #tpu.memory_space<hbm>> -> memref<10000x64xf32, #tpu.memory_space<hbm>>
      tpu.enqueue_indirect_dma source(%dma_start3A_57 : memref<10000x64xf32, #tpu.memory_space<hbm>>) target(%arg12 : memref<112x64xf32, #tpu.memory_space<vmem>>) offsets(%dma_start3A_54 : memref<112xi32, #tpu.memory_space<vmem>>) semaphore(%arg17 : memref<!tpu.dma_semaphore, #tpu.memory_space<semaphore_mem>>)
      %dma_wait3A = arith.constant 0 : i32
      %dma_wait3A_58 = tpu.memref_slice %arg7[%add3A_28, %dma_wait3A] : memref<96x112xi32, #tpu.memory_space<vmem>> -> memref<1x112xi32, #tpu.memory_space<vmem>>
      %dma_wait3A_59 = tpu.memref_squeeze %dma_wait3A_58 : memref<1x112xi32, #tpu.memory_space<vmem>> -> memref<112xi32, #tpu.memory_space<vmem>>
      %dma_wait3A_60 = arith.constant 0 : i32
      %dma_wait3A_61 = arith.constant 0 : i32
      %dma_wait3A_62 = tpu.memref_slice %arg2[%dma_wait3A_60, %dma_wait3A_61] : memref<10000x64xf32, #tpu.memory_space<hbm>> -> memref<10000x64xf32, #tpu.memory_space<hbm>>
      tpu.wait_indirect_dma semaphore(%arg14 : memref<!tpu.dma_semaphore, #tpu.memory_space<semaphore_mem>>) src(%dma_wait3A_62 : memref<10000x64xf32, #tpu.memory_space<hbm>>) dst(%arg9 : memref<112x64xf32, #tpu.memory_space<vmem>>)
      %add3A_63 = arith.constant 0 : i32
      %add3A_64 = arith.addi %add3A_26, %add3A_63 : i32
      %dma_start3A_65 = arith.constant 0 : i32
      %dma_start3A_66 = tpu.memref_slice %arg8[%add3A_64, %dma_start3A_65] : memref<96x112xi32, #tpu.memory_space<vmem>> -> memref<1x112xi32, #tpu.memory_space<vmem>>
      %dma_start3A_67 = tpu.memref_squeeze %dma_start3A_66 : memref<1x112xi32, #tpu.memory_space<vmem>> -> memref<112xi32, #tpu.memory_space<vmem>>
      %dma_start3A_68 = arith.constant 0 : i32
      %dma_start3A_69 = arith.constant 0 : i32
      %dma_start3A_70 = tpu.memref_slice %arg13[%dma_start3A_68, %dma_start3A_69] : memref<10008x64xf32, #tpu.memory_space<vmem_shared>> -> memref<10008x64xf32, #tpu.memory_space<vmem_shared>>
      tpu.enqueue_indirect_dma source(%arg9 : memref<112x64xf32, #tpu.memory_space<vmem>>) target(%dma_start3A_70 : memref<10008x64xf32, #tpu.memory_space<vmem_shared>>) offsets(%dma_start3A_67 : memref<112xi32, #tpu.memory_space<vmem>>) semaphore(%arg18 : memref<!tpu.dma_semaphore, #tpu.memory_space<semaphore_mem>>) {add = true}
      %dma_wait3A_71 = arith.constant 0 : i32
      %dma_wait3A_72 = tpu.memref_slice %arg7[%add3A_35, %dma_wait3A_71] : memref<96x112xi32, #tpu.memory_space<vmem>> -> memref<1x112xi32, #tpu.memory_space<vmem>>
      %dma_wait3A_73 = tpu.memref_squeeze %dma_wait3A_72 : memref<1x112xi32, #tpu.memory_space<vmem>> -> memref<112xi32, #tpu.memory_space<vmem>>
      %dma_wait3A_74 = arith.constant 0 : i32
      %dma_wait3A_75 = arith.constant 0 : i32
      %dma_wait3A_76 = tpu.memref_slice %arg2[%dma_wait3A_74, %dma_wait3A_75] : memref<10000x64xf32, #tpu.memory_space<hbm>> -> memref<10000x64xf32, #tpu.memory_space<hbm>>
      tpu.wait_indirect_dma semaphore(%arg15 : memref<!tpu.dma_semaphore, #tpu.memory_space<semaphore_mem>>) src(%dma_wait3A_76 : memref<10000x64xf32, #tpu.memory_space<hbm>>) dst(%arg10 : memref<112x64xf32, #tpu.memory_space<vmem>>)
      %add3A_77 = arith.constant 1 : i32
      %add3A_78 = arith.addi %add3A_26, %add3A_77 : i32
      %dma_start3A_79 = arith.constant 0 : i32
      %dma_start3A_80 = tpu.memref_slice %arg8[%add3A_78, %dma_start3A_79] : memref<96x112xi32, #tpu.memory_space<vmem>> -> memref<1x112xi32, #tpu.memory_space<vmem>>
      %dma_start3A_81 = tpu.memref_squeeze %dma_start3A_80 : memref<1x112xi32, #tpu.memory_space<vmem>> -> memref<112xi32, #tpu.memory_space<vmem>>
      %dma_start3A_82 = arith.constant 0 : i32
      %dma_start3A_83 = arith.constant 0 : i32
      %dma_start3A_84 = tpu.memref_slice %arg13[%dma_start3A_82, %dma_start3A_83] : memref<10008x64xf32, #tpu.memory_space<vmem_shared>> -> memref<10008x64xf32, #tpu.memory_space<vmem_shared>>
      tpu.enqueue_indirect_dma source(%arg10 : memref<112x64xf32, #tpu.memory_space<vmem>>) target(%dma_start3A_84 : memref<10008x64xf32, #tpu.memory_space<vmem_shared>>) offsets(%dma_start3A_81 : memref<112xi32, #tpu.memory_space<vmem>>) semaphore(%arg19 : memref<!tpu.dma_semaphore, #tpu.memory_space<semaphore_mem>>) {add = true}
      %dma_wait3A_85 = arith.constant 0 : i32
      %dma_wait3A_86 = tpu.memref_slice %arg7[%add3A_43, %dma_wait3A_85] : memref<96x112xi32, #tpu.memory_space<vmem>> -> memref<1x112xi32, #tpu.memory_space<vmem>>
      %dma_wait3A_87 = tpu.memref_squeeze %dma_wait3A_86 : memref<1x112xi32, #tpu.memory_space<vmem>> -> memref<112xi32, #tpu.memory_space<vmem>>
      %dma_wait3A_88 = arith.constant 0 : i32
      %dma_wait3A_89 = arith.constant 0 : i32
      %dma_wait3A_90 = tpu.memref_slice %arg2[%dma_wait3A_88, %dma_wait3A_89] : memref<10000x64xf32, #tpu.memory_space<hbm>> -> memref<10000x64xf32, #tpu.memory_space<hbm>>
      tpu.wait_indirect_dma semaphore(%arg16 : memref<!tpu.dma_semaphore, #tpu.memory_space<semaphore_mem>>) src(%dma_wait3A_90 : memref<10000x64xf32, #tpu.memory_space<hbm>>) dst(%arg11 : memref<112x64xf32, #tpu.memory_space<vmem>>)
      %add3A_91 = arith.constant 2 : i32
      %add3A_92 = arith.addi %add3A_26, %add3A_91 : i32
      %dma_start3A_93 = arith.constant 0 : i32
      %dma_start3A_94 = tpu.memref_slice %arg8[%add3A_92, %dma_start3A_93] : memref<96x112xi32, #tpu.memory_space<vmem>> -> memref<1x112xi32, #tpu.memory_space<vmem>>
      %dma_start3A_95 = tpu.memref_squeeze %dma_start3A_94 : memref<1x112xi32, #tpu.memory_space<vmem>> -> memref<112xi32, #tpu.memory_space<vmem>>
      %dma_start3A_96 = arith.constant 0 : i32
      %dma_start3A_97 = arith.constant 0 : i32
      %dma_start3A_98 = tpu.memref_slice %arg13[%dma_start3A_96, %dma_start3A_97] : memref<10008x64xf32, #tpu.memory_space<vmem_shared>> -> memref<10008x64xf32, #tpu.memory_space<vmem_shared>>
      tpu.enqueue_indirect_dma source(%arg11 : memref<112x64xf32, #tpu.memory_space<vmem>>) target(%dma_start3A_98 : memref<10008x64xf32, #tpu.memory_space<vmem_shared>>) offsets(%dma_start3A_95 : memref<112xi32, #tpu.memory_space<vmem>>) semaphore(%arg20 : memref<!tpu.dma_semaphore, #tpu.memory_space<semaphore_mem>>) {add = true}
      %dma_wait3A_99 = arith.constant 0 : i32
      %dma_wait3A_100 = tpu.memref_slice %arg7[%add3A_51, %dma_wait3A_99] : memref<96x112xi32, #tpu.memory_space<vmem>> -> memref<1x112xi32, #tpu.memory_space<vmem>>
      %dma_wait3A_101 = tpu.memref_squeeze %dma_wait3A_100 : memref<1x112xi32, #tpu.memory_space<vmem>> -> memref<112xi32, #tpu.memory_space<vmem>>
      %dma_wait3A_102 = arith.constant 0 : i32
      %dma_wait3A_103 = arith.constant 0 : i32
      %dma_wait3A_104 = tpu.memref_slice %arg2[%dma_wait3A_102, %dma_wait3A_103] : memref<10000x64xf32, #tpu.memory_space<hbm>> -> memref<10000x64xf32, #tpu.memory_space<hbm>>
      tpu.wait_indirect_dma semaphore(%arg17 : memref<!tpu.dma_semaphore, #tpu.memory_space<semaphore_mem>>) src(%dma_wait3A_104 : memref<10000x64xf32, #tpu.memory_space<hbm>>) dst(%arg12 : memref<112x64xf32, #tpu.memory_space<vmem>>)
      %add3A_105 = arith.constant 3 : i32
      %add3A_106 = arith.addi %add3A_26, %add3A_105 : i32
      %dma_start3A_107 = arith.constant 0 : i32
      %dma_start3A_108 = tpu.memref_slice %arg8[%add3A_106, %dma_start3A_107] : memref<96x112xi32, #tpu.memory_space<vmem>> -> memref<1x112xi32, #tpu.memory_space<vmem>>
      %dma_start3A_109 = tpu.memref_squeeze %dma_start3A_108 : memref<1x112xi32, #tpu.memory_space<vmem>> -> memref<112xi32, #tpu.memory_space<vmem>>
      %dma_start3A_110 = arith.constant 0 : i32
      %dma_start3A_111 = arith.constant 0 : i32
      %dma_start3A_112 = tpu.memref_slice %arg13[%dma_start3A_110, %dma_start3A_111] : memref<10008x64xf32, #tpu.memory_space<vmem_shared>> -> memref<10008x64xf32, #tpu.memory_space<vmem_shared>>
      tpu.enqueue_indirect_dma source(%arg12 : memref<112x64xf32, #tpu.memory_space<vmem>>) target(%dma_start3A_112 : memref<10008x64xf32, #tpu.memory_space<vmem_shared>>) offsets(%dma_start3A_109 : memref<112xi32, #tpu.memory_space<vmem>>) semaphore(%arg21 : memref<!tpu.dma_semaphore, #tpu.memory_space<semaphore_mem>>) {add = true}
      %dma_wait3A_113 = arith.constant 0 : i32
      %dma_wait3A_114 = tpu.memref_slice %arg8[%add3A_64, %dma_wait3A_113] : memref<96x112xi32, #tpu.memory_space<vmem>> -> memref<1x112xi32, #tpu.memory_space<vmem>>
      %dma_wait3A_115 = tpu.memref_squeeze %dma_wait3A_114 : memref<1x112xi32, #tpu.memory_space<vmem>> -> memref<112xi32, #tpu.memory_space<vmem>>
      %dma_wait3A_116 = arith.constant 0 : i32
      %dma_wait3A_117 = arith.constant 0 : i32
      %dma_wait3A_118 = tpu.memref_slice %arg13[%dma_wait3A_116, %dma_wait3A_117] : memref<10008x64xf32, #tpu.memory_space<vmem_shared>> -> memref<10008x64xf32, #tpu.memory_space<vmem_shared>>
      tpu.wait_indirect_dma semaphore(%arg18 : memref<!tpu.dma_semaphore, #tpu.memory_space<semaphore_mem>>) src(%arg9 : memref<112x64xf32, #tpu.memory_space<vmem>>) dst(%dma_wait3A_118 : memref<10008x64xf32, #tpu.memory_space<vmem_shared>>)
      %dma_wait3A_119 = arith.constant 0 : i32
      %dma_wait3A_120 = tpu.memref_slice %arg8[%add3A_78, %dma_wait3A_119] : memref<96x112xi32, #tpu.memory_space<vmem>> -> memref<1x112xi32, #tpu.memory_space<vmem>>
      %dma_wait3A_121 = tpu.memref_squeeze %dma_wait3A_120 : memref<1x112xi32, #tpu.memory_space<vmem>> -> memref<112xi32, #tpu.memory_space<vmem>>
      %dma_wait3A_122 = arith.constant 0 : i32
      %dma_wait3A_123 = arith.constant 0 : i32
      %dma_wait3A_124 = tpu.memref_slice %arg13[%dma_wait3A_122, %dma_wait3A_123] : memref<10008x64xf32, #tpu.memory_space<vmem_shared>> -> memref<10008x64xf32, #tpu.memory_space<vmem_shared>>
      tpu.wait_indirect_dma semaphore(%arg19 : memref<!tpu.dma_semaphore, #tpu.memory_space<semaphore_mem>>) src(%arg10 : memref<112x64xf32, #tpu.memory_space<vmem>>) dst(%dma_wait3A_124 : memref<10008x64xf32, #tpu.memory_space<vmem_shared>>)
      %dma_wait3A_125 = arith.constant 0 : i32
      %dma_wait3A_126 = tpu.memref_slice %arg8[%add3A_92, %dma_wait3A_125] : memref<96x112xi32, #tpu.memory_space<vmem>> -> memref<1x112xi32, #tpu.memory_space<vmem>>
      %dma_wait3A_127 = tpu.memref_squeeze %dma_wait3A_126 : memref<1x112xi32, #tpu.memory_space<vmem>> -> memref<112xi32, #tpu.memory_space<vmem>>
      %dma_wait3A_128 = arith.constant 0 : i32
      %dma_wait3A_129 = arith.constant 0 : i32
      %dma_wait3A_130 = tpu.memref_slice %arg13[%dma_wait3A_128, %dma_wait3A_129] : memref<10008x64xf32, #tpu.memory_space<vmem_shared>> -> memref<10008x64xf32, #tpu.memory_space<vmem_shared>>
      tpu.wait_indirect_dma semaphore(%arg20 : memref<!tpu.dma_semaphore, #tpu.memory_space<semaphore_mem>>) src(%arg11 : memref<112x64xf32, #tpu.memory_space<vmem>>) dst(%dma_wait3A_130 : memref<10008x64xf32, #tpu.memory_space<vmem_shared>>)
      %dma_wait3A_131 = arith.constant 0 : i32
      %dma_wait3A_132 = tpu.memref_slice %arg8[%add3A_106, %dma_wait3A_131] : memref<96x112xi32, #tpu.memory_space<vmem>> -> memref<1x112xi32, #tpu.memory_space<vmem>>
      %dma_wait3A_133 = tpu.memref_squeeze %dma_wait3A_132 : memref<1x112xi32, #tpu.memory_space<vmem>> -> memref<112xi32, #tpu.memory_space<vmem>>
      %dma_wait3A_134 = arith.constant 0 : i32
      %dma_wait3A_135 = arith.constant 0 : i32
      %dma_wait3A_136 = tpu.memref_slice %arg13[%dma_wait3A_134, %dma_wait3A_135] : memref<10008x64xf32, #tpu.memory_space<vmem_shared>> -> memref<10008x64xf32, #tpu.memory_space<vmem_shared>>
      tpu.wait_indirect_dma semaphore(%arg21 : memref<!tpu.dma_semaphore, #tpu.memory_space<semaphore_mem>>) src(%arg12 : memref<112x64xf32, #tpu.memory_space<vmem>>) dst(%dma_wait3A_136 : memref<10008x64xf32, #tpu.memory_space<vmem_shared>>)
    }
    %scan3A_10 = arith.constant 23 : i32
    %barrier3A_11 = arith.constant 0 : index
    tpu.barrier barrier_id(%barrier3A_11)
    %lt3A_12 = arith.constant 15 : i32
    %lt3A_13 = arith.cmpi slt, %arg1, %lt3A_12 : i32
    %convert_element_type3A_14 = arith.extui %lt3A_13 : i1 to i32
    %cond3A_15 = arith.constant 0 : i32
    %cond3A_16 = arith.cmpi ne, %convert_element_type3A_14, %cond3A_15 : i32
    scf.if %cond3A_16 {
      %mul3A_22 = arith.constant 632 : i32
      %mul3A_23 = arith.muli %arg1, %mul3A_22 : i32
      %mul3A_24 = arith.constant 632 : i32
      %mul3A_25 = arith.muli %arg1, %mul3A_24 : i32
      "tpu.region"() ({
        %run_scoped3A = tpu.sem_alloc : memref<!tpu.dma_semaphore, #tpu.memory_space<semaphore_mem>>
        %dma_start3A = arith.constant 0 : i32
        %dma_start3A_26 = tpu.memref_slice %arg6[%arg0, %mul3A_25, %dma_start3A] : memref<2x10000x64xf32, #tpu.memory_space<hbm>> -> memref<1x632x64xf32, #tpu.memory_space<hbm>>
        %dma_start3A_27 = tpu.memref_squeeze %dma_start3A_26 : memref<1x632x64xf32, #tpu.memory_space<hbm>> -> memref<632x64xf32, #tpu.memory_space<hbm>>
        %dma_start3A_28 = arith.constant 0 : i32
        %dma_start3A_29 = tpu.memref_slice %arg13[%mul3A_23, %dma_start3A_28] : memref<10008x64xf32, #tpu.memory_space<vmem_shared>> -> memref<632x64xf32, #tpu.memory_space<vmem_shared>>
        tpu.enqueue_dma source(%dma_start3A_29 : memref<632x64xf32, #tpu.memory_space<vmem_shared>>) target(%dma_start3A_27 : memref<632x64xf32, #tpu.memory_space<hbm>>) target_semaphore(%run_scoped3A : memref<!tpu.dma_semaphore, #tpu.memory_space<semaphore_mem>>)
        %dma_wait3A = arith.constant 0 : i32
        %dma_wait3A_30 = tpu.memref_slice %arg6[%arg0, %mul3A_25, %dma_wait3A] : memref<2x10000x64xf32, #tpu.memory_space<hbm>> -> memref<1x632x64xf32, #tpu.memory_space<hbm>>
        %dma_wait3A_31 = tpu.memref_squeeze %dma_wait3A_30 : memref<1x632x64xf32, #tpu.memory_space<hbm>> -> memref<632x64xf32, #tpu.memory_space<hbm>>
        %dma_wait3A_32 = arith.constant 0 : i32
        %dma_wait3A_33 = tpu.memref_slice %arg13[%mul3A_23, %dma_wait3A_32] : memref<10008x64xf32, #tpu.memory_space<vmem_shared>> -> memref<632x64xf32, #tpu.memory_space<vmem_shared>>
        tpu.wait_dma2 semaphore(%run_scoped3A : memref<!tpu.dma_semaphore, #tpu.memory_space<semaphore_mem>>) src(%dma_wait3A_33 : memref<632x64xf32, #tpu.memory_space<vmem_shared>>) dst(%dma_wait3A_31 : memref<632x64xf32, #tpu.memory_space<hbm>>)
        tpu.yield
      }) : () -> ()
    } else {
    }
    %eq3A_17 = arith.constant 15 : i32
    %eq3A_18 = arith.cmpi eq, %arg1, %eq3A_17 : i32
    %convert_element_type3A_19 = arith.extui %eq3A_18 : i1 to i32
    %cond3A_20 = arith.constant 0 : i32
    %cond3A_21 = arith.cmpi ne, %convert_element_type3A_19, %cond3A_20 : i32
    scf.if %cond3A_21 {
      "tpu.region"() ({
        %run_scoped3A = tpu.sem_alloc : memref<!tpu.dma_semaphore, #tpu.memory_space<semaphore_mem>>
        %dma_start3A = arith.constant 9480 : i32
        %dma_start3A_22 = arith.constant 0 : i32
        %dma_start3A_23 = tpu.memref_slice %arg6[%arg0, %dma_start3A, %dma_start3A_22] : memref<2x10000x64xf32, #tpu.memory_space<hbm>> -> memref<1x520x64xf32, #tpu.memory_space<hbm>>
        %dma_start3A_24 = tpu.memref_squeeze %dma_start3A_23 : memref<1x520x64xf32, #tpu.memory_space<hbm>> -> memref<520x64xf32, #tpu.memory_space<hbm>>
        %dma_start3A_25 = arith.constant 9480 : i32
        %dma_start3A_26 = arith.constant 0 : i32
        %dma_start3A_27 = tpu.memref_slice %arg13[%dma_start3A_25, %dma_start3A_26] : memref<10008x64xf32, #tpu.memory_space<vmem_shared>> -> memref<520x64xf32, #tpu.memory_space<vmem_shared>>
        tpu.enqueue_dma source(%dma_start3A_27 : memref<520x64xf32, #tpu.memory_space<vmem_shared>>) target(%dma_start3A_24 : memref<520x64xf32, #tpu.memory_space<hbm>>) target_semaphore(%run_scoped3A : memref<!tpu.dma_semaphore, #tpu.memory_space<semaphore_mem>>)
        %dma_wait3A = arith.constant 9480 : i32
        %dma_wait3A_28 = arith.constant 0 : i32
        %dma_wait3A_29 = tpu.memref_slice %arg6[%arg0, %dma_wait3A, %dma_wait3A_28] : memref<2x10000x64xf32, #tpu.memory_space<hbm>> -> memref<1x520x64xf32, #tpu.memory_space<hbm>>
        %dma_wait3A_30 = tpu.memref_squeeze %dma_wait3A_29 : memref<1x520x64xf32, #tpu.memory_space<hbm>> -> memref<520x64xf32, #tpu.memory_space<hbm>>
        %dma_wait3A_31 = arith.constant 9480 : i32
        %dma_wait3A_32 = arith.constant 0 : i32
        %dma_wait3A_33 = tpu.memref_slice %arg13[%dma_wait3A_31, %dma_wait3A_32] : memref<10008x64xf32, #tpu.memory_space<vmem_shared>> -> memref<520x64xf32, #tpu.memory_space<vmem_shared>>
        tpu.wait_dma2 semaphore(%run_scoped3A : memref<!tpu.dma_semaphore, #tpu.memory_space<semaphore_mem>>) src(%dma_wait3A_33 : memref<520x64xf32, #tpu.memory_space<vmem_shared>>) dst(%dma_wait3A_30 : memref<520x64xf32, #tpu.memory_space<hbm>>)
        tpu.yield
      }) : () -> ()
    } else {
    }
    return
  }
}

module attributes {stable_mosaic.version = 14 : i64} {
  func.func @_tc1_body(%arg0: i32, %arg1: memref<2000x128xf32, #tpu.memory_space<vmem>>, %arg2: memref<128x128xf32, #tpu.memory_space<vmem>>, %arg3: memref<2x2000x16xf32, #tpu.memory_space<vmem>>, %arg4: memref<2000x128xf32, #tpu.memory_space<vmem>>) attributes {dimension_semantics = [#tpu.dimension_semantics<arbitrary>], iteration_bounds = array<i64: 5>, scalar_prefetch = 0 : i64, scratch_operands = 0 : i64, tpu.core_type = #tpu.core_type<tc>, window_params = [{transform_indices = @transform_0, window_bounds = array<i64: 2000, 128>}, {pipeline_mode = #tpu.pipeline_mode<synchronous>, transform_indices = @transform_1, window_bounds = array<i64: 128, 128>}, {transform_indices = @transform_2, window_bounds = array<i64: 2, 2000, 16>}, {transform_indices = @transform_3, window_bounds = array<i64: 2000, 128>}]} {
    %get3A = arith.constant 0 : index
    %get3A_0 = arith.constant 0 : index
    %get3A_1 = arith.constant 0 : index
    %get3A_2 = vector.load %arg3[%get3A, %get3A_0, %get3A_1] : memref<2x2000x16xf32, #tpu.memory_space<vmem>>, vector<1x2000x1xf32>
    %get3A_3 = vector.shape_cast %get3A_2 : vector<1x2000x1xf32> to vector<2000x1xf32>
    %get3A_4 = arith.constant 1 : index
    %get3A_5 = arith.constant 0 : index
    %get3A_6 = arith.constant 0 : index
    %get3A_7 = vector.load %arg3[%get3A_4, %get3A_5, %get3A_6] : memref<2x2000x16xf32, #tpu.memory_space<vmem>>, vector<1x2000x1xf32>
    %get3A_8 = vector.shape_cast %get3A_7 : vector<1x2000x1xf32> to vector<2000x1xf32>
    %add3A = arith.addf %get3A_3, %get3A_8 : vector<2000x1xf32>
    %max3A = arith.constant 1.000000e+00 : f32
    %max3A_9 = vector.broadcast %max3A : f32 to vector<2000x1xf32>
    %max3A_10 = arith.maximumf %add3A, %max3A_9 : vector<2000x1xf32>
    %rsqrt3A = math.rsqrt %max3A_10 : vector<2000x1xf32>
    %get3A_11 = arith.constant 0 : index
    %get3A_12 = arith.constant 0 : index
    %get3A_13 = vector.load %arg1[%get3A_11, %get3A_12] : memref<2000x128xf32, #tpu.memory_space<vmem>>, vector<2000x128xf32>
    %get3A_14 = arith.constant 0 : index
    %get3A_15 = arith.constant 0 : index
    %get3A_16 = vector.load %arg2[%get3A_14, %get3A_15] : memref<128x128xf32, #tpu.memory_space<vmem>>, vector<128x128xf32>
    %dot_general3A = arith.constant dense<0.000000e+00> : vector<2000x128xf32>
    %dot_general3A_17 = tpu.matmul %get3A_13, %get3A_16, %dot_general3A {dimension_numbers = #tpu.dot_dimension_numbers<[1], [0], [0], [1], [0, 0, 1, 1], [], []>, transpose_lhs_hint = false} : vector<2000x128xf32>, vector<128x128xf32>, vector<2000x128xf32> -> vector<2000x128xf32>
    %mul3A = vector.broadcast %rsqrt3A : vector<2000x1xf32> to vector<2000x128xf32>
    %mul3A_18 = arith.mulf %dot_general3A_17, %mul3A : vector<2000x128xf32>
    %swap3A = arith.constant 0 : index
    %swap3A_19 = arith.constant 0 : index
    %swap3A_20 = vector.load %arg4[%swap3A, %swap3A_19] : memref<2000x128xf32, #tpu.memory_space<vmem>>, vector<2000x128xf32>
    tpu.vector_store %arg4[%swap3A, %swap3A_19], %mul3A_18 {strides = array<i32>} : memref<2000x128xf32, #tpu.memory_space<vmem>>, vector<2000x128xf32>,
    return
  }
  func.func @transform_0(%arg0: i32) -> (i32, i32) {
    %c0_i32 = arith.constant 0 : i32
    %c0_i32_0 = arith.constant 0 : i32
    return %arg0, %c0_i32 : i32, i32
  }
  func.func @transform_1(%arg0: i32) -> (i32, i32) {
    %c0_i32 = arith.constant 0 : i32
    %c0_i32_0 = arith.constant 0 : i32
    %c0_i32_1 = arith.constant 0 : i32
    return %c0_i32, %c0_i32_0 : i32, i32
  }
  func.func @transform_2(%arg0: i32) -> (i32, i32, i32) {
    %c0_i32 = arith.constant 0 : i32
    %c0_i32_0 = arith.constant 0 : i32
    %c0_i32_1 = arith.constant 0 : i32
    return %c0_i32, %arg0, %c0_i32_0 : i32, i32, i32
  }
  func.func @transform_3(%arg0: i32) -> (i32, i32) {
    %c0_i32 = arith.constant 0 : i32
    %c0_i32_0 = arith.constant 0 : i32
    return %arg0, %c0_i32 : i32, i32
  }
}

module attributes {stable_mosaic.version = 14 : i64} {
  func.func @_tc2_body(%arg0: i32, %arg1: memref<2x2000x128xf32, #tpu.memory_space<vmem>>, %arg2: memref<2x2000x16xf32, #tpu.memory_space<vmem>>, %arg3: memref<128x64xf32, #tpu.memory_space<vmem>>, %arg4: memref<2000x64xf32, #tpu.memory_space<vmem>>) attributes {dimension_semantics = [#tpu.dimension_semantics<arbitrary>], iteration_bounds = array<i64: 5>, scalar_prefetch = 0 : i64, scratch_operands = 0 : i64, tpu.core_type = #tpu.core_type<tc>, window_params = [{transform_indices = @transform_0, window_bounds = array<i64: 2, 2000, 128>}, {transform_indices = @transform_1, window_bounds = array<i64: 2, 2000, 16>}, {pipeline_mode = #tpu.pipeline_mode<synchronous>, transform_indices = @transform_2, window_bounds = array<i64: 128, 64>}, {transform_indices = @transform_3, window_bounds = array<i64: 2000, 64>}]} {
    %get3A = arith.constant 0 : index
    %get3A_0 = arith.constant 0 : index
    %get3A_1 = arith.constant 0 : index
    %get3A_2 = vector.load %arg2[%get3A, %get3A_0, %get3A_1] : memref<2x2000x16xf32, #tpu.memory_space<vmem>>, vector<1x2000x1xf32>
    %get3A_3 = vector.shape_cast %get3A_2 : vector<1x2000x1xf32> to vector<2000x1xf32>
    %get3A_4 = arith.constant 1 : index
    %get3A_5 = arith.constant 0 : index
    %get3A_6 = arith.constant 0 : index
    %get3A_7 = vector.load %arg2[%get3A_4, %get3A_5, %get3A_6] : memref<2x2000x16xf32, #tpu.memory_space<vmem>>, vector<1x2000x1xf32>
    %get3A_8 = vector.shape_cast %get3A_7 : vector<1x2000x1xf32> to vector<2000x1xf32>
    %add3A = arith.addf %get3A_3, %get3A_8 : vector<2000x1xf32>
    %max3A = arith.constant 1.000000e+00 : f32
    %max3A_9 = vector.broadcast %max3A : f32 to vector<2000x1xf32>
    %max3A_10 = arith.maximumf %add3A, %max3A_9 : vector<2000x1xf32>
    %rsqrt3A = math.rsqrt %max3A_10 : vector<2000x1xf32>
    %get3A_11 = arith.constant 0 : index
    %get3A_12 = arith.constant 0 : index
    %get3A_13 = arith.constant 0 : index
    %get3A_14 = vector.load %arg1[%get3A_11, %get3A_12, %get3A_13] : memref<2x2000x128xf32, #tpu.memory_space<vmem>>, vector<1x2000x128xf32>
    %get3A_15 = vector.shape_cast %get3A_14 : vector<1x2000x128xf32> to vector<2000x128xf32>
    %get3A_16 = arith.constant 1 : index
    %get3A_17 = arith.constant 0 : index
    %get3A_18 = arith.constant 0 : index
    %get3A_19 = vector.load %arg1[%get3A_16, %get3A_17, %get3A_18] : memref<2x2000x128xf32, #tpu.memory_space<vmem>>, vector<1x2000x128xf32>
    %get3A_20 = vector.shape_cast %get3A_19 : vector<1x2000x128xf32> to vector<2000x128xf32>
    %add3A_21 = arith.addf %get3A_15, %get3A_20 : vector<2000x128xf32>
    %mul3A = vector.broadcast %rsqrt3A : vector<2000x1xf32> to vector<2000x128xf32>
    %mul3A_22 = arith.mulf %add3A_21, %mul3A : vector<2000x128xf32>
    %max3A_23 = arith.constant 0.000000e+00 : f32
    %max3A_24 = vector.broadcast %max3A_23 : f32 to vector<2000x128xf32>
    %max3A_25 = arith.maximumf %mul3A_22, %max3A_24 : vector<2000x128xf32>
    %get3A_26 = arith.constant 0 : index
    %get3A_27 = arith.constant 0 : index
    %get3A_28 = vector.load %arg3[%get3A_26, %get3A_27] : memref<128x64xf32, #tpu.memory_space<vmem>>, vector<128x64xf32>
    %dot_general3A = arith.constant dense<0.000000e+00> : vector<2000x64xf32>
    %dot_general3A_29 = tpu.matmul %max3A_25, %get3A_28, %dot_general3A {dimension_numbers = #tpu.dot_dimension_numbers<[1], [0], [0], [1], [0, 0, 1, 1], [], []>, transpose_lhs_hint = false} : vector<2000x128xf32>, vector<128x64xf32>, vector<2000x64xf32> -> vector<2000x64xf32>
    %mul3A_30 = vector.broadcast %rsqrt3A : vector<2000x1xf32> to vector<2000x64xf32>
    %mul3A_31 = arith.mulf %dot_general3A_29, %mul3A_30 : vector<2000x64xf32>
    %swap3A = arith.constant 0 : index
    %swap3A_32 = arith.constant 0 : index
    %swap3A_33 = vector.load %arg4[%swap3A, %swap3A_32] : memref<2000x64xf32, #tpu.memory_space<vmem>>, vector<2000x64xf32>
    tpu.vector_store %arg4[%swap3A, %swap3A_32], %mul3A_31 {strides = array<i32>} : memref<2000x64xf32, #tpu.memory_space<vmem>>, vector<2000x64xf32>,
    return
  }
  func.func @transform_0(%arg0: i32) -> (i32, i32, i32) {
    %c0_i32 = arith.constant 0 : i32
    %c0_i32_0 = arith.constant 0 : i32
    %c0_i32_1 = arith.constant 0 : i32
    return %c0_i32, %arg0, %c0_i32_0 : i32, i32, i32
  }
  func.func @transform_1(%arg0: i32) -> (i32, i32, i32) {
    %c0_i32 = arith.constant 0 : i32
    %c0_i32_0 = arith.constant 0 : i32
    %c0_i32_1 = arith.constant 0 : i32
    return %c0_i32, %arg0, %c0_i32_0 : i32, i32, i32
  }
  func.func @transform_2(%arg0: i32) -> (i32, i32) {
    %c0_i32 = arith.constant 0 : i32
    %c0_i32_0 = arith.constant 0 : i32
    %c0_i32_1 = arith.constant 0 : i32
    return %c0_i32, %c0_i32_0 : i32, i32
  }
  func.func @transform_3(%arg0: i32) -> (i32, i32) {
    %c0_i32 = arith.constant 0 : i32
    %c0_i32_0 = arith.constant 0 : i32
    return %arg0, %c0_i32 : i32, i32
  }
}

module attributes {stable_mosaic.version = 14 : i64} {
  func.func @_tc3_body(%arg0: i32, %arg1: memref<2x2000x64xf32, #tpu.memory_space<vmem>>, %arg2: memref<2x2000x16xf32, #tpu.memory_space<vmem>>, %arg3: memref<2000x64xf32, #tpu.memory_space<vmem>>) attributes {dimension_semantics = [#tpu.dimension_semantics<arbitrary>], iteration_bounds = array<i64: 5>, scalar_prefetch = 0 : i64, scratch_operands = 0 : i64, tpu.core_type = #tpu.core_type<tc>, window_params = [{transform_indices = @transform_0, window_bounds = array<i64: 2, 2000, 64>}, {transform_indices = @transform_1, window_bounds = array<i64: 2, 2000, 16>}, {transform_indices = @transform_2, window_bounds = array<i64: 2000, 64>}]} {
    %get3A = arith.constant 0 : index
    %get3A_0 = arith.constant 0 : index
    %get3A_1 = arith.constant 0 : index
    %get3A_2 = vector.load %arg2[%get3A, %get3A_0, %get3A_1] : memref<2x2000x16xf32, #tpu.memory_space<vmem>>, vector<1x2000x1xf32>
    %get3A_3 = vector.shape_cast %get3A_2 : vector<1x2000x1xf32> to vector<2000x1xf32>
    %get3A_4 = arith.constant 1 : index
    %get3A_5 = arith.constant 0 : index
    %get3A_6 = arith.constant 0 : index
    %get3A_7 = vector.load %arg2[%get3A_4, %get3A_5, %get3A_6] : memref<2x2000x16xf32, #tpu.memory_space<vmem>>, vector<1x2000x1xf32>
    %get3A_8 = vector.shape_cast %get3A_7 : vector<1x2000x1xf32> to vector<2000x1xf32>
    %add3A = arith.addf %get3A_3, %get3A_8 : vector<2000x1xf32>
    %max3A = arith.constant 1.000000e+00 : f32
    %max3A_9 = vector.broadcast %max3A : f32 to vector<2000x1xf32>
    %max3A_10 = arith.maximumf %add3A, %max3A_9 : vector<2000x1xf32>
    %rsqrt3A = math.rsqrt %max3A_10 : vector<2000x1xf32>
    %get3A_11 = arith.constant 0 : index
    %get3A_12 = arith.constant 0 : index
    %get3A_13 = arith.constant 0 : index
    %get3A_14 = vector.load %arg1[%get3A_11, %get3A_12, %get3A_13] : memref<2x2000x64xf32, #tpu.memory_space<vmem>>, vector<1x2000x64xf32>
    %get3A_15 = vector.shape_cast %get3A_14 : vector<1x2000x64xf32> to vector<2000x64xf32>
    %get3A_16 = arith.constant 1 : index
    %get3A_17 = arith.constant 0 : index
    %get3A_18 = arith.constant 0 : index
    %get3A_19 = vector.load %arg1[%get3A_16, %get3A_17, %get3A_18] : memref<2x2000x64xf32, #tpu.memory_space<vmem>>, vector<1x2000x64xf32>
    %get3A_20 = vector.shape_cast %get3A_19 : vector<1x2000x64xf32> to vector<2000x64xf32>
    %add3A_21 = arith.addf %get3A_15, %get3A_20 : vector<2000x64xf32>
    %mul3A = vector.broadcast %rsqrt3A : vector<2000x1xf32> to vector<2000x64xf32>
    %mul3A_22 = arith.mulf %add3A_21, %mul3A : vector<2000x64xf32>
    %reduce_max3A = arith.constant dense<0xFF800000> : vector<2000xf32>
    %reduce_max3A_23 = vector.multi_reduction <maximumf>, %mul3A_22, %reduce_max3A [1] : vector<2000x64xf32> to vector<2000xf32>
    %broadcast_in_dim3A = vector.shape_cast %reduce_max3A_23 : vector<2000xf32> to vector<2000x1xf32>
    %sub3A = vector.broadcast %broadcast_in_dim3A : vector<2000x1xf32> to vector<2000x64xf32>
    %sub3A_24 = arith.subf %mul3A_22, %sub3A : vector<2000x64xf32>
    %exp3A = math.exp %sub3A_24 : vector<2000x64xf32>
    %reduce_sum3A = arith.constant dense<0.000000e+00> : vector<2000xf32>
    %reduce_sum3A_25 = vector.multi_reduction <add>, %exp3A, %reduce_sum3A [1] : vector<2000x64xf32> to vector<2000xf32>
    %broadcast_in_dim3A_26 = vector.shape_cast %reduce_sum3A_25 : vector<2000xf32> to vector<2000x1xf32>
    %log3A = math.log %broadcast_in_dim3A_26 : vector<2000x1xf32>
    %sub3A_27 = vector.broadcast %broadcast_in_dim3A : vector<2000x1xf32> to vector<2000x64xf32>
    %sub3A_28 = arith.subf %mul3A_22, %sub3A_27 : vector<2000x64xf32>
    %sub3A_29 = vector.broadcast %log3A : vector<2000x1xf32> to vector<2000x64xf32>
    %sub3A_30 = arith.subf %sub3A_28, %sub3A_29 : vector<2000x64xf32>
    %swap3A = arith.constant 0 : index
    %swap3A_31 = arith.constant 0 : index
    %swap3A_32 = vector.load %arg3[%swap3A, %swap3A_31] : memref<2000x64xf32, #tpu.memory_space<vmem>>, vector<2000x64xf32>
    tpu.vector_store %arg3[%swap3A, %swap3A_31], %sub3A_30 {strides = array<i32>} : memref<2000x64xf32, #tpu.memory_space<vmem>>, vector<2000x64xf32>,
    return
  }
  func.func @transform_0(%arg0: i32) -> (i32, i32, i32) {
    %c0_i32 = arith.constant 0 : i32
    %c0_i32_0 = arith.constant 0 : i32
    %c0_i32_1 = arith.constant 0 : i32
    return %c0_i32, %arg0, %c0_i32_0 : i32, i32, i32
  }
  func.func @transform_1(%arg0: i32) -> (i32, i32, i32) {
    %c0_i32 = arith.constant 0 : i32
    %c0_i32_0 = arith.constant 0 : i32
    %c0_i32_1 = arith.constant 0 : i32
    return %c0_i32, %arg0, %c0_i32_0 : i32, i32, i32
  }
  func.func @transform_2(%arg0: i32) -> (i32, i32) {
    %c0_i32 = arith.constant 0 : i32
    %c0_i32_0 = arith.constant 0 : i32
    return %arg0, %c0_i32 : i32, i32
  }
}

</mosaic_0001>

<sc_bundles>
// kernel: kernel.11.cloned.1.call-start
scs
__scs_entry_jumppad:
0x0: {  	(pc) =	sbr.rel $0x88, $3  }
0x1: {  	(tag) =	ssettag $0x0;
	lr =	simm.s32 $0x1  }
0x2: {  	[smem:$0x3F9D] =	sst lr;
	_ =	strace $0xD0000000  }
0x3: {  	_ = 	snop  }
0x4: {  	_ = 	snop  }
0x5: {  	_ = 	snop  }
0x6: {  	_ = 	snop  }
0x7: {  	_ = 	snop  }
__scs_overlays_trampoline_lowered:
0x8: {  	[smem:$0x3FAC] =	sst s0  }
0x9: {  	[smem:$0x3FAD] =	sst s1  }
0xa: {  	[smem:$0x3FAE] =	sst s2  }
0xb: {  	[smem:$0x3FAF] =	sst s3  }
0xc: {  	[smem:$0x3FB0] =	sst s4  }
0xd: {  	[smem:$0x3FB1] =	sst s5  }
0xe: {  	[smem:$0x3FB2] =	sst s6  }
0xf: {  	[smem:$0x3FB3] =	sst s7  }
0x10: {  	[smem:$0x3FB4] =	sst s8  }
0x11: {  	[smem:$0x3FB5] =	sst s9;
	s0 =	simm.s32 @!p0 $0x0  }
0x12: {  	s1 =	sld [smem:$0x3F9B];
	s0 =	simm.s32 @p0 $0x1  }
0x13: {  	[smem:$0x3FB6] =	sst s0;
	s0 =	simm.s32 @!p1 $0x0  }
0x14: {  	s2 =	sld [smem:$0x3F9A];
	s0 =	simm.s32 @p1 $0x1  }
0x15: {  	[smem:$0x3FB7] =	sst s0;
	s0 =	simm.s32 @!p2 $0x0  }
0x16: {  	s3 =	sld [smem:$0x3FDB];
	s0 =	simm.s32 @p2 $0x1  }
0x17: {  	s4 =	simm.s32 $0x1BF5;
	[smem:$0x3FB9] =	sst s0  }
0x18: {  	s0 =	sld [smem:$0x3F9C];
	_ =	swait.ge [sflag:s4], $0x0  }
0x19: {  	s7 =	sld [smem:$0x3F9D]  }
0x1a: {  	s8 =	sadd.s32 $0xFFFFE003, lr  }
0x1b: {  	s9 =	sadd.s32 $0xFFFFFEF7, lr;
	s5 =	simm.s32 $0xFFFFFFFF;
	p2 =	slt.u32 s8, $0xFFFFF086  }
0x1c: {  	p1 =	slt.u32 s9, $0xF7A;
	s5 =	simm.s32 @!p2 $0x0  }
0x1d: {  	s5 =	simm.s32 @p1 $0x1;
	p0 =	seq.s32 s7, s2  }
0x1e: {  	s7 =	smul.u32 @!p0 $0xF7A, s2;
	p2 =	seq.s32 @!p0 s5, $0x0  }
0x1f: {  	s9 =	smul.u32 $0xF7A, s1;
	s8 =	simm.s32 @!p0 $0x1BF5;
	p2 =	por !p2, p0  }
0x20: {  	[sflag:s8] =	ssyncset.s32 @!p0 $0xFFFFF086;
	s6 =	sadd.s32 @!p0 s3, s7;
	s7 =	simm.s32 @!p0 $0x108  }
0x21: {  	s3 =	sadd.s32 s3, s9;
	s6 =	sadd.s32 @!p0 $0x88, s6;
	s7 =	simm.s32 @p2 $0x1082  }
0x22: {  	[simem:s7], [sflag:s8] =	dma.local @!p0 [hbm:s6], $0xF7A  }
0x23: {  	s9 =	sor.u32 $0xD0000000, s2;
	s6 =	simm.s32 $0x108;
	_ =	swait.ge @!p0 [sflag:s8], $0x0  }
0x24: {  	s3 =	sadd.s32 $0x88, s3;
	s6 =	simm.s32 @!p1 $0x1082;
	[sflag:s4] =	ssyncset.s32 $0xFFFFF086  }
0x25: {  	[simem:s6], [sflag:s4] =	dma.local [hbm:s3], $0xF7A  }
0x26: {  	[smem:$0x3F9D] =	sst s1;
	(tag) =	ssettag s2;
	_ =	strace s9  }
0x27: {  	s1 =	sld [smem:$0x3FAD]  }
0x28: {  	s2 =	sld [smem:$0x3FAE]  }
0x29: {  	s4 =	sld [smem:$0x3FB0]  }
0x2a: {  	p0 =	seq.s32 s5, $0x0;
	s5 =	sld [smem:$0x3FB1]  }
0x2b: {  	s6 =	sld [smem:$0x3FB2]  }
0x2c: {  	s7 =	sld [smem:$0x3FB3]  }
0x2d: {  	s3 =	simm.s32 $0x108;
	s8 =	sld [smem:$0x3FB4]  }
0x2e: {  	s3 =	simm.s32 @!p0 $0x1082;
	s9 =	sld [smem:$0x3FB5]  }
0x2f: {  	lr =	sadd.s32 s0, s3;
	s0 =	sld [smem:$0x3FAC]  }
0x30: {  	s3 =	sld [smem:$0x3FAF]  }
0x31: {  	[smem:$0x3FB8] =	sst s10  }
0x32: {  	s10 =	sld [smem:$0x3FB6];
	_ =	sdelay $0x3  }
0x33: {  	p0 =	seq.s32 s10, $0x1;
	s10 =	sld [smem:$0x3FB8];
	_ =	sdelay $0x3  }
0x34: {  	[smem:$0x3FB8] =	sst s10  }
0x35: {  	s10 =	sld [smem:$0x3FB7];
	_ =	sdelay $0x3  }
0x36: {  	p1 =	seq.s32 s10, $0x1;
	s10 =	sld [smem:$0x3FB8];
	_ =	sdelay $0x3  }
0x37: {  	[smem:$0x3FB8] =	sst s10  }
0x38: {  	s10 =	sld [smem:$0x3FB9]  }
0x39: {  	_ = 	snop;
	(pc) =	sbr.ind lr, $3  }
0x3a: {  	_ = 	snop  }
0x3b: {  	_ = 	snop  }
0x3c: {  	p2 =	seq.s32 s10, $0x1;
	s10 =	sld [smem:$0x3FB8]  }
0x3d: {  	_ =	shalt  }
0x3e: {  	_ =	shalt  }
0x3f: {  	_ =	shalt  }
0x40: {  	_ =	shalt  }
0x41: {  	_ =	shalt  }
0x42: {  	_ =	shalt  }
0x43: {  	_ =	shalt  }
0x44: {  	_ =	shalt  }
0x45: {  	_ =	shalt  }
0x46: {  	_ =	shalt  }
0x47: {  	_ =	shalt  }
0x48: {  	_ =	shalt  }
0x49: {  	_ =	shalt  }
0x4a: {  	_ =	shalt  }
0x4b: {  	_ =	shalt  }
0x4c: {  	_ =	shalt  }
0x4d: {  	_ =	shalt  }
0x4e: {  	_ =	shalt  }
0x4f: {  	_ =	shalt  }
0x50: {  	_ =	shalt  }
0x51: {  	_ =	shalt  }
0x52: {  	_ =	shalt  }
0x53: {  	_ =	shalt  }
0x54: {  	_ =	shalt  }
0x55: {  	_ =	shalt  }
0x56: {  	_ =	shalt  }
0x57: {  	_ =	shalt  }
0x58: {  	_ =	shalt  }
0x59: {  	_ =	shalt  }
0x5a: {  	_ =	shalt  }
0x5b: {  	_ =	shalt  }
0x5c: {  	_ =	shalt  }
0x5d: {  	_ =	shalt  }
0x5e: {  	_ =	shalt  }
0x5f: {  	_ =	shalt  }
0x60: {  	_ =	shalt  }
0x61: {  	_ =	shalt  }
0x62: {  	_ =	shalt  }
0x63: {  	_ =	shalt  }
0x64: {  	_ =	shalt  }
0x65: {  	_ =	shalt  }
0x66: {  	_ =	shalt  }
0x67: {  	_ =	shalt  }
0x68: {  	_ =	shalt  }
0x69: {  	_ =	shalt  }
0x6a: {  	_ =	shalt  }
0x6b: {  	_ =	shalt  }
0x6c: {  	_ =	shalt  }
0x6d: {  	_ =	shalt  }
0x6e: {  	_ =	shalt  }
0x6f: {  	_ =	shalt  }
0x70: {  	_ =	shalt  }
0x71: {  	_ =	shalt  }
0x72: {  	_ =	shalt  }
0x73: {  	_ =	shalt  }
0x74: {  	_ =	shalt  }
0x75: {  	_ =	shalt  }
0x76: {  	_ =	shalt  }
0x77: {  	_ =	shalt  }
0x78: {  	_ =	shalt  }
0x79: {  	_ =	shalt  }
0x7a: {  	_ =	shalt  }
0x7b: {  	_ =	shalt  }
0x7c: {  	_ =	shalt  }
0x7d: {  	_ =	shalt  }
0x7e: {  	_ =	shalt  }
0x7f: {  	_ =	shalt  }
0x80: {  	_ =	shalt  }
0x81: {  	_ =	shalt  }
0x82: {  	_ =	shalt  }
0x83: {  	_ =	shalt  }
0x84: {  	_ =	shalt  }
0x85: {  	_ =	shalt  }
0x86: {  	_ =	shalt  }
0x87: {  	_ =	shalt  }
.Lfunc_end0:
.L_simem_size_0:
called_computation.1_lowered:
.L_overlay_start_0:
0x88: {  	s2 =	sld [smem:$0x3FD9]  }
0x89: {  	s3 =	sld [smem:$0x3FFE];
	_ =	sdelay $0x1  }
0x8a: {  	s1 =	srdreg.scid  }
0x8b: {  	s0 =	sand.u32 $0x1, s1  }
0x8c: {  	s16 =	sshll.u32 s0, $0xA;
	s2 =	sadd.s32 s3, s2  }
0x8d: {  	s2 =	sadd.s32 s2, s16  }
0x8e: {  	[smem:$0x3FC4] =	sst s2  }
0x8f: {  	_ = 	snop  }
0x90: {  	(tm) =	ssettm $0x1  }
0x91: {  	s17 =	sld [smem:$0x3FFB];
	_ =	sdelay $0x3  }
0x92: {  	_ =	strace s17  }
0x93: {  	s2 =	sld [smem:$0x3FFC];
	_ =	sdelay $0x3  }
0x94: {  	_ =	strace s2  }
0x95: {  	s2 =	sld [smem:$0x3FFD];
	_ =	sdelay $0x3  }
0x96: {  	_ =	strace s2  }
0x97: {  	_ =	strace $0x8FFFFFFF  }
0x98: {  	s18 =	sld [smem:$0x3FDB];
	_ =	sdelay $0x1  }
0x99: {  	s19 =	simm.s32 $_scs_section_size  }
0x9a: {  	s4 =	simm.s32 $_size__tile_overlayer_lowered;
	s5 =	simm.s32 $_tile_overlayer_lowered  }
0x9b: {  	s22 =	simm.s32 $0x1BFF;
	s21 =	sshll.u32 s5, $0x1;
	s2 =	sadd.s32 s19, s18  }
0x9c: {  	s6 =	simm.s32 $0x0;
	s20 =	sshll.u32 s4, $0x1;
	s4 =	sadd.s32 s21, s2  }
0x9d: {  	[timem:s6], [sflag:s22] =	dma.local [hbm:s4], s20  }
0x9e: {  	_ =	swait.ge [sflag:s22], s20  }
0x9f: {  	s3 =	ssub.s32 $0x0, s20;
	[sflag:s22] =	ssyncset.done $0x0  }
0xa0: {  	[sflag:s22] =	ssyncadd.s32 s3;
	_ =	sdelay $0x1  }
0xa1: {  	s23 =	simm.s32 $0x1B8B  }
0xa2: {  	_ =	swait.ge [sflag:s23], $0x1  }
0xa3: {  	[sflag:s23] =	ssyncset.done $0x0  }
0xa4: {  	s25 =	simm.s32 $0x1B8E;
	s24 =	sld [smem:$0x3FFE];
	[sflag:s23] =	ssyncadd.s32 $0xFFFFFFFF  }
0xa5: {  	s26 =	simm.s32 $execute0_lowered;
	[smem:$0x3FD2] =	sst s25  }
0xa6: {  	s4 =	sshll.u32 s26, $0x1;
	_ =	strace $0x80000049;
	[dreg:$0x1] =	wrdreg $0xFFFFFFFF  }
0xa7: {  	s28 =	simm.s32 $_size_execute0_lowered;
	s2 =	sadd.s32 s2, s4;
	[dreg:$0x0] =	wrdreg $0x0  }
0xa8: {  	s4 =	sshll.u32 s28, $0x1;
	[dreg:$0x2] =	wrdreg s2  }
0xa9: {  	[dreg:$0x3] =	wrdreg s4  }
0xaa: {  	[dreg:$0x4] =	wrdreg $0xC0  }
0xab: {  	_ =	task [dreg:s6], $0x5FFFF  }
0xac: {  	[dreg:$0x1] =	wrdreg $0xFFFFFFFF  }
0xad: {  	[dreg:$0x0] =	wrdreg $0x60  }
0xae: {  	[dreg:$0x2] =	wrdreg s24  }
0xaf: {  	[dreg:$0x3] =	wrdreg $0xC4000  }
0xb0: {  	[dreg:$0x4] =	wrdreg $0x9  }
0xb1: {  	_ =	task.clear_ibuf [dreg:s6], $0x5FFFF;
	_ =	strace $0x90000049  }
0xb2: {  	s29 =	simm.s32 $0x9;
	_ =	strace $0x8000004B  }
0xb3: {  	_ =	swait.ge [sflag:s29], $0x1  }
0xb4: {  	[sflag:s29] =	ssyncadd.s32 $0xFFFFFFFF  }
0xb5: {  	_ =	strace $0x9000004B  }
0xb6: {  	_ =	sfence  }
0xb7: {  	s30 =	sld [smem:$0x0];
	_ =	sdelay $0x2  }
0xb8: {  	s31 =	sshll.u32 s1, $0xD;
	s1 =	sshrl.u32 s1, $0x2  }
0xb9: {  	s3 =	sand.u32 $0x4000, s31;
	s1 =	sadd.s32 s1, s30  }
0xba: {  	s0 =	sor.u32 s3, s0;
	s1 =	sshll.u32 s1, $0x11  }
0xbb: {  	s0 =	sor.u32 s1, s0  }
0xbc: {  	s0 =	sadd.s32 $0x8F2B, s0  }
0xbd: {  	[sflag:s0] =	ssyncadd.remote.s32 $0x1  }
0xbe: {  	_ =	sfence.sel $0xFFFF  }
0xbf: {  	[dreg:$0x0] =	wrdreg $0xFFFFFFFF;
	(pc) =	sbr.abs _section_cstart, $3  }
0xc0: {  	[dreg:$0x1] =	wrdreg $0xFFFFFFFF  }
0xc1: {  	_ =	task.clear_ibuf [dreg:s6], $0x2FFFF;
	_ =	strace $0x9FFFFFFF  }
0xc2: {  	(tm) =	ssettm $0x7FFFFFFF  }
0xc3: {  	_ =	shalt  }
tec
execute0_lowered:
.L_overlay_start_1:
0x0: {  	(tag) =	ssettag $0x1  }
0x1: {  	s0 =	srdreg.scid;
	s8 =	rddreg [dreg:$0x0]  }
0x2: {  	s2 =	rddreg [dreg:$0x1];
	s3 =	simm.s32 $0x0;
	s17 =	simm.s32 $0x70  }
0x3: {  	s18 =	simm.s32 $0x5400;
	s19 =	simm.s32 $0x8C00;
	s20 =	simm.s32 $0x1  }
0x4: {  	s21 =	simm.s32 $0x2;
	s22 =	simm.s32 $0x3;
	s23 =	simm.s32 $0x4  }
0x5: {  	s24 =	simm.s32 $0x0;
	s6 =	sand.u32 $0x1, s0;
	s0 =	stileid.u32  }
0x6: {  	[smem:$0x7FF] =	sst s3;
	s12 =	sadd.s32 $0xB7E00, s8;
	s14 =	sadd.s32 $0x128400, s2  }
0x7: {  	s1 =	sshll.u32 s6, $0x4;
	s9 =	smul.u32 $0x13C00, s0;
	s10 =	ssub.s32 $0x2, s6  }
0x8: {  	s31 =	smul.u32 $0x138800, s6;
	p0 =	seq.s32 s0, $0xF;
	s4 =	sor.u32 s0, s1  }
0x9: {  	s1 =	rddreg [dreg:$0x2];
	_ =	strace $0x8000004A;
	s30 =	sshrl.u32 s10, $0x1  }
0xa: {  	s15 =	sshll.u32 @!p0 s0, $0x6;
	s14 =	sshrl.u32 @p0 s14, $0x3;
	s5 =	smul.u32 $0x540, s4  }
0xb: {  	s4 =	sadd.s32 $0x69A00, s8;
	s29 =	sshrl.u32 s9, $0x3;
	s13 =	ssub.s32 s10, s30  }
0xc: {  	s16 =	sadd.s32 s9, s2;
	s9 =	sadd.s32 s9, s31;
	s10 =	sshrl.u32 s31, $0x3  }
0xd: {  	s15 =	sor.u32 @!p0 $0x1C05, s15;
	s11 =	sadd.s32 s29, s8;
	s9 =	sshrl.u32 s9, $0x3  }
0xe: {  	s10 =	sadd.s32 s12, s10;
	s16 =	sshrl.u32 @!p0 s16, $0x3;
	s7 =	sadd.s32 s5, s8  }
0xf: {  	s8 =	sadd.s32 $0xB5C80, s8;
	s9 =	sadd.s32 s12, s9;
	s10 =	sadd.s32 $0x25080, s10  }
0x10: {  	s12 =	simm.s32 $0x5;
	s5 =	sadd.s32 $0x11000, s7;
	s6 =	sadd.s32 $0x1600, s7  }
0x11: {  	s7 =	sadd.s32 $0x90C00, s11;
	s11 =	smax.u32 s13, $0x1;
	s13 =	simm.s32 $0x2A00  }
.LBB2_1:
0x12: {  	[tilespmem:s3], [sflag:$0x5] =	stream.linear.gather [hbm4b:s5+s3], $0x2A00, $0x38;
	[tilespmem:$0x1FCC0] =	vst v63  }
0x13: {  	_ =	swait.ge [sflag:s12], $0x2A00  }
0x14: {  	[sflag:s12] =	ssyncset.done $0x0  }
0x15: {  	[sflag:s12] =	ssyncadd.s32 $0xFFFFD600  }
0x16: {  	[tilespmem:s13], [sflag:$0x5] =	stream.linear.gather [hbm4b:s6+s3], $0x2A00, $0x38;
	[tilespmem:$0x1FCC0] =	vst v63  }
0x17: {  	_ =	swait.ge [sflag:s12], $0x2A00  }
0x18: {  	[sflag:s12] =	ssyncset.done $0x0  }
0x19: {  	s25 =	simm.s32 @p0 $0x1FC5;
	[sflag:s12] =	ssyncadd.s32 $0xFFFFD600  }
0x1a: {  	[spmem:s14], [sflag:s25] =	dma.local @p0 [hbm:s8], $0x2100  }
0x1b: {  	s25 =	simm.s32 @p0 $0x5  }
0x1c: {  	_ =	swait.ge @p0 [sflag:s25], $0x2100  }
0x1d: {  	[sflag:s25] =	ssyncset.done @p0 $0x0  }
0x1e: {  	[sflag:s25] =	ssyncadd.s32 @p0 $0xFFFFDF00;
	s25 =	simm.s32 @!p0 $0x5  }
0x1f: {  	[spmem:s16], [sflag:s15] =	dma.local @!p0 [hbm:s7], $0x2780  }
0x20: {  	_ =	swait.ge @!p0 [sflag:s25], $0x2780  }
0x21: {  	[sflag:s25] =	ssyncset.done @!p0 $0x0  }
0x22: {  	[sflag:s25] =	ssyncadd.s32 @!p0 $0xFFFFD880  }
0x23: {  	s28 =	simm.s32 $0x0;
	[bflag:$0x0] =	sbarrier.arrive $0xFFFF  }
0x24: {  	[tilespmem:s18], [sflag:$0x1] =	stream.indirect.gather [hbm4b:s4+s17], $0x80, s28, s17, $0xb8;
	[tilespmem:$0x1FCC0] =	vst v63  }
0x25: {  	s29 =	simm.s32 $0x70  }
0x26: {  	[tilespmem:s19], [sflag:$0x2] =	stream.indirect.gather [hbm4b:s4+s17], $0x80, s29, s17, $0xb8;
	[tilespmem:$0x1FCC0] =	vst v63  }
0x27: {  	_ =	swait.ge [sflag:s20], $0x3800  }
0x28: {  	[sflag:s20] =	ssyncset.done $0x0  }
0x29: {  	s30 =	simm.s32 $0x2A00;
	[sflag:s20] =	ssyncadd.s32 $0xFFFFC800  }
0x2a: {  	[spmem:s2] =	stream.indirect.scatter.add.f32 [tilespmem:s18], [sflag:$0x3], $0x80, s30, s17, $0xb8;
	[tilespmem:$0x1FCC0] =	vst v63  }
0x2b: {  	_ =	swait.ge [sflag:s21], $0x3800  }
0x2c: {  	[sflag:s21] =	ssyncset.done $0x0  }
0x2d: {  	s31 =	simm.s32 $0x2A70;
	[sflag:s21] =	ssyncadd.s32 $0xFFFFC800  }
0x2e: {  	[spmem:s2] =	stream.indirect.scatter.add.f32 [tilespmem:s19], [sflag:$0x4], $0x80, s31, s17, $0xb8;
	[tilespmem:$0x1FCC0] =	vst v63  }
0x2f: {  	_ =	swait.ge [sflag:s22], $0x3800  }
0x30: {  	[sflag:s22] =	ssyncset.done $0x0  }
0x31: {  	[sflag:s22] =	ssyncadd.s32 $0xFFFFC800  }
0x32: {  	_ =	swait.ge [sflag:s23], $0x3800  }
0x33: {  	s26 =	simm.s32 $0x700;
	s25 =	simm.s32 $0x380;
	[sflag:s23] =	ssyncset.done $0x0  }
.LBB2_2:
0x34: {  	s28 =	sshra.s32 s25, $0x2  }
0x35: {  	[sflag:s23] =	ssyncadd.s32 $0xFFFFC800;
	s25 =	smov.u32 s26;
	s29 =	sadd.s32 $0x380, s26  }
0x36: {  	[tilespmem:s18], [sflag:$0x1] =	stream.indirect.gather [hbm4b:s4+s17], $0x80, s28, s17, $0xb8;
	[tilespmem:$0x1FCC0] =	vst v63  }
0x37: {  	p1 =	sne.s32 s26, $0x9D80;
	s26 =	sadd.s32 $0x70, s28  }
0x38: {  	[tilespmem:s19], [sflag:$0x2] =	stream.indirect.gather [hbm4b:s4+s17], $0x80, s26, s17, $0xb8;
	[tilespmem:$0x1FCC0] =	vst v63  }
0x39: {  	_ =	swait.ge [sflag:s20], $0x3800  }
0x3a: {  	[sflag:s20] =	ssyncset.done $0x0  }
0x3b: {  	s26 =	sadd.s32 $0x2A00, s28;
	[sflag:s20] =	ssyncadd.s32 $0xFFFFC800  }
0x3c: {  	[spmem:s2] =	stream.indirect.scatter.add.f32 [tilespmem:s18], [sflag:$0x3], $0x80, s26, s17, $0xb8;
	[tilespmem:$0x1FCC0] =	vst v63  }
0x3d: {  	_ =	swait.ge [sflag:s21], $0x3800  }
0x3e: {  	[sflag:s21] =	ssyncset.done $0x0  }
0x3f: {  	s26 =	sadd.s32 $0x2A70, s28;
	[sflag:s21] =	ssyncadd.s32 $0xFFFFC800  }
0x40: {  	[spmem:s2] =	stream.indirect.scatter.add.f32 [tilespmem:s19], [sflag:$0x4], $0x80, s26, s17, $0xb8;
	[tilespmem:$0x1FCC0] =	vst v63  }
.Ltmp0:
0x41: {  	_ =	swait.ge [sflag:s22], $0x3800;
	(pc) =	sbr.rel @p1 .LBB2_2-.Ltmp0, $4  }
0x42: {  	[sflag:s22] =	ssyncset.done $0x0  }
0x43: {  	[sflag:s22] =	ssyncadd.s32 $0xFFFFC800  }
0x44: {  	_ =	swait.ge [sflag:s23], $0x3800  }
0x45: {  	s26 =	smov.u32 s29;
	[sflag:s23] =	ssyncset.done $0x0  }
0x46: {  	s25 =	sshra.s32 s25, $0x2;
	[sflag:s23] =	ssyncadd.s32 $0xFFFFC800  }
0x47: {  	[tilespmem:s18], [sflag:$0x1] =	stream.indirect.gather [hbm4b:s4+s17], $0x80, s25, s17, $0xb8;
	[tilespmem:$0x1FCC0] =	vst v63  }
0x48: {  	s26 =	sadd.s32 $0x70, s25  }
0x49: {  	[tilespmem:s19], [sflag:$0x2] =	stream.indirect.gather [hbm4b:s4+s17], $0x80, s26, s17, $0xb8;
	[tilespmem:$0x1FCC0] =	vst v63  }
0x4a: {  	_ =	swait.ge [sflag:s20], $0x3800  }
0x4b: {  	[sflag:s20] =	ssyncset.done $0x0  }
0x4c: {  	s31 =	sadd.s32 $0x2A00, s25;
	[sflag:s20] =	ssyncadd.s32 $0xFFFFC800  }
0x4d: {  	[spmem:s2] =	stream.indirect.scatter.add.f32 [tilespmem:s18], [sflag:$0x3], $0x80, s31, s17, $0xb8;
	[tilespmem:$0x1FCC0] =	vst v63  }
0x4e: {  	_ =	swait.ge [sflag:s21], $0x3800  }
0x4f: {  	[sflag:s21] =	ssyncset.done $0x0  }
0x50: {  	s25 =	sadd.s32 $0x2A70, s25;
	[sflag:s21] =	ssyncadd.s32 $0xFFFFC800  }
0x51: {  	[spmem:s2] =	stream.indirect.scatter.add.f32 [tilespmem:s19], [sflag:$0x4], $0x80, s25, s17, $0xb8;
	[tilespmem:$0x1FCC0] =	vst v63  }
0x52: {  	_ =	swait.ge [sflag:s22], $0x3800  }
0x53: {  	[sflag:s22] =	ssyncset.done $0x0  }
0x54: {  	[sflag:s22] =	ssyncadd.s32 $0xFFFFC800  }
0x55: {  	_ =	swait.ge [sflag:s23], $0x3800  }
0x56: {  	[sflag:s23] =	ssyncset.done $0x0  }
0x57: {  	[sflag:s23] =	ssyncadd.s32 $0xFFFFC800  }
0x58: {  	s25 =	simm.s32 @p0 $0x1FC5;
	[bflag:$0x0] =	sbarrier.arrive $0xFFFF  }
0x59: {  	[hbm:s10], [sflag:s25] =	dma.local @p0 [spmem:s14], $0x2080  }
0x5a: {  	s25 =	simm.s32 @p0 $0x5  }
0x5b: {  	s24 =	sadd.s32 $0x1, s24;
	_ =	swait.ge @p0 [sflag:s25], $0x2080  }
0x5c: {  	p1 =	sne.s32 s24, s11;
	[sflag:s25] =	ssyncset.done @p0 $0x0  }
.Ltmp1:
0x5d: {  	[sflag:s25] =	ssyncadd.s32 @p0 $0xFFFFDF80;
	s25 =	simm.s32 @!p0 $0x5;
	(pc) =	sbr.rel @p1 .LBB2_1-.Ltmp1, $4  }
0x5e: {  	[hbm:s9], [sflag:s15] =	dma.local @!p0 [spmem:s16], $0x2780  }
0x5f: {  	_ =	swait.ge @!p0 [sflag:s25], $0x2780  }
0x60: {  	[sflag:s25] =	ssyncset.done @!p0 $0x0  }
0x61: {  	[sflag:s25] =	ssyncadd.s32 @!p0 $0xFFFFD880  }
0x62: {  	_ =	sfence.sel $0x180000  }
0x63: {  	[bflag:$0x0] =	sbarrier.arrive $0xFFFF  }
0x64: {  	p0 =	sne.s32 s0, $0x0;
	_ =	strace $0x9000004A  }
0x65: {  	s0 =	sadd.s32 @!p0 $0x100000, s1;
	[bflag:$0x2] =	sbarrier.arrive $0xFFFF  }
0x66: {  	[sflag:s0] =	ssyncadd.tile.s32 @!p0 $0x1;
	_ =	shalt  }
.Lfunc_end2:
_tile_overlayer_lowered:
.L_overlay_start_2:
0x67: {  	(tag) =	ssettag $0x2  }
0x68: {  	s0 =	rddreg [dreg:$0x0];
	s2 =	stileid.u32  }
0x69: {  	s1 =	rddreg [dreg:$0x1];
	p0 =	sne.s32 s2, $0x0  }
0x6a: {  	s3 =	rddreg [dreg:$0x2];
	[bflag:$0x3] =	sbarrier.arrive $0xFFFF;
	s2 =	simm.s32 @!p0 $0x1C05  }
0x6b: {  	[timem:s3], [sflag:s2] =	dma.local @!p0 [hbm:s0], s1  }
0x6c: {  	s0 =	simm.s32 @!p0 $0x5  }
0x6d: {  	_ =	swait.ge @!p0 [sflag:s0], s1  }
0x6e: {  	s1 =	ssub.s32 @!p0 $0x0, s1;
	[sflag:s0] =	ssyncset.done @!p0 $0x0  }
0x6f: {  	[sflag:s0] =	ssyncadd.s32 @!p0 s1  }
0x70: {  	[bflag:$0x3] =	sbarrier.arrive $0xFFFF  }
0x71: {  	_ =	shalt  }

// kernel: kernel.14.cloned.1.call-start
scs
__scs_entry_jumppad:
0x0: {  	(pc) =	sbr.rel $0x88, $3  }
0x1: {  	(tag) =	ssettag $0x0;
	lr =	simm.s32 $0x1  }
0x2: {  	[smem:$0x3F9D] =	sst lr;
	_ =	strace $0xD0000000  }
0x3: {  	_ = 	snop  }
0x4: {  	_ = 	snop  }
0x5: {  	_ = 	snop  }
0x6: {  	_ = 	snop  }
0x7: {  	_ = 	snop  }
__scs_overlays_trampoline_lowered:
0x8: {  	[smem:$0x3FAC] =	sst s0  }
0x9: {  	[smem:$0x3FAD] =	sst s1  }
0xa: {  	[smem:$0x3FAE] =	sst s2  }
0xb: {  	[smem:$0x3FAF] =	sst s3  }
0xc: {  	[smem:$0x3FB0] =	sst s4  }
0xd: {  	[smem:$0x3FB1] =	sst s5  }
0xe: {  	[smem:$0x3FB2] =	sst s6  }
0xf: {  	[smem:$0x3FB3] =	sst s7  }
0x10: {  	[smem:$0x3FB4] =	sst s8  }
0x11: {  	[smem:$0x3FB5] =	sst s9;
	s0 =	simm.s32 @!p0 $0x0  }
0x12: {  	s1 =	sld [smem:$0x3F9B];
	s0 =	simm.s32 @p0 $0x1  }
0x13: {  	[smem:$0x3FB6] =	sst s0;
	s0 =	simm.s32 @!p1 $0x0  }
0x14: {  	s2 =	sld [smem:$0x3F9A];
	s0 =	simm.s32 @p1 $0x1  }
0x15: {  	[smem:$0x3FB7] =	sst s0;
	s0 =	simm.s32 @!p2 $0x0  }
0x16: {  	s3 =	sld [smem:$0x3FDB];
	s0 =	simm.s32 @p2 $0x1  }
0x17: {  	s4 =	simm.s32 $0x1BF5;
	[smem:$0x3FB9] =	sst s0  }
0x18: {  	s0 =	sld [smem:$0x3F9C];
	_ =	swait.ge [sflag:s4], $0x0  }
0x19: {  	s7 =	sld [smem:$0x3F9D]  }
0x1a: {  	s8 =	sadd.s32 $0xFFFFE003, lr  }
0x1b: {  	s9 =	sadd.s32 $0xFFFFFEF7, lr;
	s5 =	simm.s32 $0xFFFFFFFF;
	p2 =	slt.u32 s8, $0xFFFFF086  }
0x1c: {  	p1 =	slt.u32 s9, $0xF7A;
	s5 =	simm.s32 @!p2 $0x0  }
0x1d: {  	s5 =	simm.s32 @p1 $0x1;
	p0 =	seq.s32 s7, s2  }
0x1e: {  	s7 =	smul.u32 @!p0 $0xF7A, s2;
	p2 =	seq.s32 @!p0 s5, $0x0  }
0x1f: {  	s9 =	smul.u32 $0xF7A, s1;
	s8 =	simm.s32 @!p0 $0x1BF5;
	p2 =	por !p2, p0  }
0x20: {  	[sflag:s8] =	ssyncset.s32 @!p0 $0xFFFFF086;
	s6 =	sadd.s32 @!p0 s3, s7;
	s7 =	simm.s32 @!p0 $0x108  }
0x21: {  	s3 =	sadd.s32 s3, s9;
	s6 =	sadd.s32 @!p0 $0x88, s6;
	s7 =	simm.s32 @p2 $0x1082  }
0x22: {  	[simem:s7], [sflag:s8] =	dma.local @!p0 [hbm:s6], $0xF7A  }
0x23: {  	s9 =	sor.u32 $0xD0000000, s2;
	s6 =	simm.s32 $0x108;
	_ =	swait.ge @!p0 [sflag:s8], $0x0  }
0x24: {  	s3 =	sadd.s32 $0x88, s3;
	s6 =	simm.s32 @!p1 $0x1082;
	[sflag:s4] =	ssyncset.s32 $0xFFFFF086  }
0x25: {  	[simem:s6], [sflag:s4] =	dma.local [hbm:s3], $0xF7A  }
0x26: {  	[smem:$0x3F9D] =	sst s1;
	(tag) =	ssettag s2;
	_ =	strace s9  }
0x27: {  	s1 =	sld [smem:$0x3FAD]  }
0x28: {  	s2 =	sld [smem:$0x3FAE]  }
0x29: {  	s4 =	sld [smem:$0x3FB0]  }
0x2a: {  	p0 =	seq.s32 s5, $0x0;
	s5 =	sld [smem:$0x3FB1]  }
0x2b: {  	s6 =	sld [smem:$0x3FB2]  }
0x2c: {  	s7 =	sld [smem:$0x3FB3]  }
0x2d: {  	s3 =	simm.s32 $0x108;
	s8 =	sld [smem:$0x3FB4]  }
0x2e: {  	s3 =	simm.s32 @!p0 $0x1082;
	s9 =	sld [smem:$0x3FB5]  }
0x2f: {  	lr =	sadd.s32 s0, s3;
	s0 =	sld [smem:$0x3FAC]  }
0x30: {  	s3 =	sld [smem:$0x3FAF]  }
0x31: {  	[smem:$0x3FB8] =	sst s10  }
0x32: {  	s10 =	sld [smem:$0x3FB6];
	_ =	sdelay $0x3  }
0x33: {  	p0 =	seq.s32 s10, $0x1;
	s10 =	sld [smem:$0x3FB8];
	_ =	sdelay $0x3  }
0x34: {  	[smem:$0x3FB8] =	sst s10  }
0x35: {  	s10 =	sld [smem:$0x3FB7];
	_ =	sdelay $0x3  }
0x36: {  	p1 =	seq.s32 s10, $0x1;
	s10 =	sld [smem:$0x3FB8];
	_ =	sdelay $0x3  }
0x37: {  	[smem:$0x3FB8] =	sst s10  }
0x38: {  	s10 =	sld [smem:$0x3FB9]  }
0x39: {  	_ = 	snop;
	(pc) =	sbr.ind lr, $3  }
0x3a: {  	_ = 	snop  }
0x3b: {  	_ = 	snop  }
0x3c: {  	p2 =	seq.s32 s10, $0x1;
	s10 =	sld [smem:$0x3FB8]  }
0x3d: {  	_ =	shalt  }
0x3e: {  	_ =	shalt  }
0x3f: {  	_ =	shalt  }
0x40: {  	_ =	shalt  }
0x41: {  	_ =	shalt  }
0x42: {  	_ =	shalt  }
0x43: {  	_ =	shalt  }
0x44: {  	_ =	shalt  }
0x45: {  	_ =	shalt  }
0x46: {  	_ =	shalt  }
0x47: {  	_ =	shalt  }
0x48: {  	_ =	shalt  }
0x49: {  	_ =	shalt  }
0x4a: {  	_ =	shalt  }
0x4b: {  	_ =	shalt  }
0x4c: {  	_ =	shalt  }
0x4d: {  	_ =	shalt  }
0x4e: {  	_ =	shalt  }
0x4f: {  	_ =	shalt  }
0x50: {  	_ =	shalt  }
0x51: {  	_ =	shalt  }
0x52: {  	_ =	shalt  }
0x53: {  	_ =	shalt  }
0x54: {  	_ =	shalt  }
0x55: {  	_ =	shalt  }
0x56: {  	_ =	shalt  }
0x57: {  	_ =	shalt  }
0x58: {  	_ =	shalt  }
0x59: {  	_ =	shalt  }
0x5a: {  	_ =	shalt  }
0x5b: {  	_ =	shalt  }
0x5c: {  	_ =	shalt  }
0x5d: {  	_ =	shalt  }
0x5e: {  	_ =	shalt  }
0x5f: {  	_ =	shalt  }
0x60: {  	_ =	shalt  }
0x61: {  	_ =	shalt  }
0x62: {  	_ =	shalt  }
0x63: {  	_ =	shalt  }
0x64: {  	_ =	shalt  }
0x65: {  	_ =	shalt  }
0x66: {  	_ =	shalt  }
0x67: {  	_ =	shalt  }
0x68: {  	_ =	shalt  }
0x69: {  	_ =	shalt  }
0x6a: {  	_ =	shalt  }
0x6b: {  	_ =	shalt  }
0x6c: {  	_ =	shalt  }
0x6d: {  	_ =	shalt  }
0x6e: {  	_ =	shalt  }
0x6f: {  	_ =	shalt  }
0x70: {  	_ =	shalt  }
0x71: {  	_ =	shalt  }
0x72: {  	_ =	shalt  }
0x73: {  	_ =	shalt  }
0x74: {  	_ =	shalt  }
0x75: {  	_ =	shalt  }
0x76: {  	_ =	shalt  }
0x77: {  	_ =	shalt  }
0x78: {  	_ =	shalt  }
0x79: {  	_ =	shalt  }
0x7a: {  	_ =	shalt  }
0x7b: {  	_ =	shalt  }
0x7c: {  	_ =	shalt  }
0x7d: {  	_ =	shalt  }
0x7e: {  	_ =	shalt  }
0x7f: {  	_ =	shalt  }
0x80: {  	_ =	shalt  }
0x81: {  	_ =	shalt  }
0x82: {  	_ =	shalt  }
0x83: {  	_ =	shalt  }
0x84: {  	_ =	shalt  }
0x85: {  	_ =	shalt  }
0x86: {  	_ =	shalt  }
0x87: {  	_ =	shalt  }
.Lfunc_end0:
.L_simem_size_0:
called_computation.2_lowered:
.L_overlay_start_0:
0x88: {  	s2 =	sld [smem:$0x3FD9]  }
0x89: {  	s3 =	sld [smem:$0x3FFE];
	_ =	sdelay $0x1  }
0x8a: {  	s1 =	srdreg.scid  }
0x8b: {  	s0 =	sand.u32 $0x1, s1  }
0x8c: {  	s17 =	sshll.u32 s0, $0xA;
	s2 =	sadd.s32 s3, s2  }
0x8d: {  	s2 =	sadd.s32 s2, s17  }
0x8e: {  	[smem:$0x3FC4] =	sst s2  }
0x8f: {  	_ = 	snop  }
0x90: {  	s2 =	sld [smem:$0x3FD0];
	(tm) =	ssettm $0x1  }
0x91: {  	s18 =	sld [smem:$0x3FFB];
	_ =	sdelay $0x3  }
0x92: {  	_ =	strace s18  }
0x93: {  	s3 =	sld [smem:$0x3FFC];
	_ =	sdelay $0x3  }
0x94: {  	_ =	strace s3  }
0x95: {  	s3 =	sld [smem:$0x3FFD];
	_ =	sdelay $0x3  }
0x96: {  	_ =	strace s3  }
0x97: {  	_ =	strace $0x8FFFFFFF  }
0x98: {  	s19 =	sld [smem:$0x3FDB];
	_ =	sdelay $0x1  }
0x99: {  	s4 =	simm.s32 $_scs_section_size  }
0x9a: {  	s5 =	simm.s32 $_size__tile_overlayer_lowered;
	s6 =	simm.s32 $_tile_overlayer_lowered  }
0x9b: {  	s22 =	simm.s32 $0x1BFF;
	s21 =	sshll.u32 s6, $0x1;
	s3 =	sadd.s32 s4, s19  }
0x9c: {  	s7 =	simm.s32 $0x0;
	s20 =	sshll.u32 s5, $0x1;
	s5 =	sadd.s32 s21, s3  }
0x9d: {  	[timem:s7], [sflag:s22] =	dma.local [hbm:s5], s20  }
0x9e: {  	_ =	swait.ge [sflag:s22], s20  }
0x9f: {  	s4 =	ssub.s32 $0x0, s20;
	[sflag:s22] =	ssyncset.done $0x0  }
0xa0: {  	[sflag:s22] =	ssyncadd.s32 s4;
	_ =	sdelay $0x1  }
0xa1: {  	s23 =	simm.s32 $0x1B8B  }
0xa2: {  	_ =	swait.ge [sflag:s23], $0x1  }
0xa3: {  	[sflag:s23] =	ssyncset.done $0x0  }
0xa4: {  	s25 =	simm.s32 $0x1B8E;
	s24 =	sld [smem:$0x3FFE];
	[sflag:s23] =	ssyncadd.s32 $0xFFFFFFFF  }
0xa5: {  	s26 =	simm.s32 $execute0_lowered;
	[smem:$0x3FD2] =	sst s25  }
0xa6: {  	s5 =	sshll.u32 s26, $0x1;
	_ =	strace $0x8000004C;
	[dreg:$0x1] =	wrdreg $0xFFFFFFFF  }
0xa7: {  	s28 =	simm.s32 $_size_execute0_lowered;
	s3 =	sadd.s32 s3, s5;
	[dreg:$0x0] =	wrdreg $0x0  }
0xa8: {  	s5 =	sshll.u32 s28, $0x1;
	[dreg:$0x2] =	wrdreg s3  }
0xa9: {  	[dreg:$0x3] =	wrdreg s5  }
0xaa: {  	[dreg:$0x4] =	wrdreg $0xC0  }
0xab: {  	_ =	task [dreg:s7], $0x5FFFF  }
0xac: {  	[dreg:$0x1] =	wrdreg $0xFFFFFFFF  }
0xad: {  	[dreg:$0x0] =	wrdreg $0x60  }
0xae: {  	[dreg:$0x2] =	wrdreg s24  }
0xaf: {  	[dreg:$0x3] =	wrdreg s2  }
0xb0: {  	[dreg:$0x4] =	wrdreg $0xC4000  }
0xb1: {  	[dreg:$0x5] =	wrdreg $0x9  }
0xb2: {  	_ =	task.clear_ibuf [dreg:s7], $0x6FFFF;
	_ =	strace $0x9000004C  }
0xb3: {  	s29 =	simm.s32 $0x9;
	_ =	strace $0x8000004E  }
0xb4: {  	_ =	swait.ge [sflag:s29], $0x1  }
0xb5: {  	[sflag:s29] =	ssyncadd.s32 $0xFFFFFFFF  }
0xb6: {  	_ =	strace $0x9000004E  }
0xb7: {  	_ =	sfence  }
0xb8: {  	s30 =	sld [smem:$0x0];
	_ =	sdelay $0x2  }
0xb9: {  	s31 =	sshll.u32 s1, $0xD;
	s1 =	sshrl.u32 s1, $0x2  }
0xba: {  	s3 =	sand.u32 $0x4000, s31;
	s1 =	sadd.s32 s1, s30  }
0xbb: {  	s0 =	sor.u32 s3, s0;
	s1 =	sshll.u32 s1, $0x11  }
0xbc: {  	s0 =	sor.u32 s1, s0  }
0xbd: {  	s0 =	sadd.s32 $0x8F2B, s0  }
0xbe: {  	[sflag:s0] =	ssyncadd.remote.s32 $0x1  }
0xbf: {  	_ =	sfence.sel $0xFFFF  }
0xc0: {  	[dreg:$0x0] =	wrdreg $0xFFFFFFFF;
	(pc) =	sbr.abs _section_cstart, $3  }
0xc1: {  	[dreg:$0x1] =	wrdreg $0xFFFFFFFF  }
0xc2: {  	_ =	task.clear_ibuf [dreg:s7], $0x2FFFF;
	_ =	strace $0x9FFFFFFF  }
0xc3: {  	(tm) =	ssettm $0x7FFFFFFF  }
tec
execute0_lowered:
.L_overlay_start_1:
0x0: {  	(tag) =	ssettag $0x1  }
0x1: {  	s0 =	rddreg [dreg:$0x0]  }
0x2: {  	s2 =	rddreg [dreg:$0x1]  }
0x3: {  	s1 =	rddreg [dreg:$0x2]  }
0x4: {  	s3 =	srdreg.scid;
	s5 =	simm.s32 $0x0;
	s12 =	simm.s32 $0x9  }
0x5: {  	s17 =	simm.s32 $0x70;
	s18 =	simm.s32 $0x5400;
	s19 =	simm.s32 $0x7000  }
0x6: {  	s20 =	simm.s32 $0x8C00;
	s21 =	simm.s32 $0xA800;
	s28 =	simm.s32 $0x6  }
0x7: {  	s29 =	simm.s32 $0x7;
	s30 =	simm.s32 $0x8;
	s31 =	simm.s32 $0x0  }
0x8: {  	s6 =	sand.u32 $0x1, s3;
	s3 =	stileid.u32;
	[smem:$0x7FF] =	sst s5  }
0x9: {  	s14 =	sadd.s32 $0x94200, s1;
	s4 =	sshll.u32 s6, $0x4;
	s9 =	smul.u32 $0x9E00, s3  }
0xa: {  	_ =	strace $0x8000004D;
	s7 =	ssub.s32 $0x2, s6;
	s24 =	smul.u32 $0x9C400, s6  }
0xb: {  	p0 =	seq.s32 s3, $0xF;
	s4 =	sor.u32 s3, s4;
	s8 =	sshrl.u32 s7, $0x1  }
0xc: {  	s14 =	sshrl.u32 @p0 s14, $0x3;
	s22 =	smul.u32 $0x540, s4;
	s4 =	sadd.s32 $0x69A00, s0  }
0xd: {  	s11 =	ssub.s32 s7, s8;
	s23 =	sshrl.u32 s9, $0x3;
	s13 =	sadd.s32 s9, s1  }
0xe: {  	s9 =	sadd.s32 s9, s24;
	s25 =	sshrl.u32 s24, $0x3;
	s8 =	sadd.s32 $0x12840, s2  }
0xf: {  	s24 =	simm.s32 $0x3;
	s7 =	sadd.s32 s2, s23;
	s26 =	sshrl.u32 s9, $0x3  }
0x10: {  	s11 =	smax.u32 s11, $0x1;
	s16 =	sshrl.u32 @!p0 s13, $0x3;
	s23 =	simm.s32 $0x2  }
0x11: {  	s10 =	sadd.s32 s22, s0;
	s0 =	sadd.s32 $0x7D400, s0;
	s22 =	simm.s32 $0x1  }
0x12: {  	s5 =	sadd.s32 $0x11000, s10;
	s6 =	sadd.s32 $0x1600, s10;
	s10 =	sadd.s32 s0, s25  }
0x13: {  	s9 =	sadd.s32 s0, s26;
	s0 =	sshll.u32 @!p0 s3, $0x6;
	s25 =	simm.s32 $0x4  }
0x14: {  	s26 =	simm.s32 $0x5;
	s10 =	sadd.s32 $0x12840, s10;
	s15 =	sor.u32 @!p0 $0x1C09, s0  }
.LBB2_1:
0x15: {  	s0 =	simm.s32 $0x0  }
0x16: {  	[tilespmem:s0], [sflag:$0x9] =	stream.linear.gather [hbm4b:s5+s0], $0x2A00, $0x38;
	[tilespmem:$0x16060] =	vst v63  }
0x17: {  	_ =	swait.ge [sflag:s12], $0x2A00  }
0x18: {  	[sflag:s12] =	ssyncset.done $0x0  }
0x19: {  	s2 =	simm.s32 $0x2A00;
	[sflag:s12] =	ssyncadd.s32 $0xFFFFD600  }
0x1a: {  	[tilespmem:s2], [sflag:$0x9] =	stream.linear.gather [hbm4b:s6+s0], $0x2A00, $0x38;
	[tilespmem:$0x16060] =	vst v63  }
0x1b: {  	_ =	swait.ge [sflag:s12], $0x2A00  }
0x1c: {  	[sflag:s12] =	ssyncset.done $0x0  }
0x1d: {  	s0 =	simm.s32 @p0 $0x1FC9;
	[sflag:s12] =	ssyncadd.s32 $0xFFFFD600  }
0x1e: {  	[spmem:s14], [sflag:s0] =	dma.local @p0 [hbm:s8], $0x1080  }
0x1f: {  	s0 =	simm.s32 @p0 $0x9  }
0x20: {  	_ =	swait.ge @p0 [sflag:s0], $0x1080  }
0x21: {  	[sflag:s0] =	ssyncset.done @p0 $0x0  }
0x22: {  	[sflag:s0] =	ssyncadd.s32 @p0 $0xFFFFEF80;
	s0 =	simm.s32 @!p0 $0x9  }
0x23: {  	[spmem:s16], [sflag:s15] =	dma.local @!p0 [hbm:s7], $0x13C0  }
0x24: {  	_ =	swait.ge @!p0 [sflag:s0], $0x13C0  }
0x25: {  	[sflag:s0] =	ssyncset.done @!p0 $0x0  }
0x26: {  	[sflag:s0] =	ssyncadd.s32 @!p0 $0xFFFFEC40  }
0x27: {  	s3 =	simm.s32 $0x0;
	[bflag:$0x0] =	sbarrier.arrive $0xFFFF  }
0x28: {  	[tilespmem:s18], [sflag:$0x1] =	stream.indirect.gather [hbm4b:s4+s17], $0x40, s3, s17, $0xb8;
	[tilespmem:$0x16060] =	vst v63  }
0x29: {  	s13 =	simm.s32 $0x70  }
0x2a: {  	[tilespmem:s19], [sflag:$0x2] =	stream.indirect.gather [hbm4b:s4+s17], $0x40, s13, s17, $0xb8;
	[tilespmem:$0x16060] =	vst v63  }
0x2b: {  	s2 =	simm.s32 $0xE0  }
0x2c: {  	[tilespmem:s20], [sflag:$0x3] =	stream.indirect.gather [hbm4b:s4+s17], $0x40, s2, s17, $0xb8;
	[tilespmem:$0x16060] =	vst v63  }
0x2d: {  	s3 =	simm.s32 $0x150  }
0x2e: {  	[tilespmem:s21], [sflag:$0x4] =	stream.indirect.gather [hbm4b:s4+s17], $0x40, s3, s17, $0xb8;
	[tilespmem:$0x16060] =	vst v63  }
0x2f: {  	_ =	swait.ge [sflag:s22], $0x1C00  }
0x30: {  	[sflag:s22] =	ssyncset.done $0x0  }
0x31: {  	s13 =	simm.s32 $0x2A00;
	[sflag:s22] =	ssyncadd.s32 $0xFFFFE400  }
0x32: {  	[spmem:s1] =	stream.indirect.scatter.add.f32 [tilespmem:s18], [sflag:$0x5], $0x40, s13, s17, $0xb8;
	[tilespmem:$0x16060] =	vst v63  }
0x33: {  	_ =	swait.ge [sflag:s23], $0x1C00  }
0x34: {  	[sflag:s23] =	ssyncset.done $0x0  }
0x35: {  	s2 =	simm.s32 $0x2A70;
	[sflag:s23] =	ssyncadd.s32 $0xFFFFE400  }
0x36: {  	[spmem:s1] =	stream.indirect.scatter.add.f32 [tilespmem:s19], [sflag:$0x6], $0x40, s2, s17, $0xb8;
	[tilespmem:$0x16060] =	vst v63  }
0x37: {  	_ =	swait.ge [sflag:s24], $0x1C00  }
0x38: {  	[sflag:s24] =	ssyncset.done $0x0  }
0x39: {  	s3 =	simm.s32 $0x2AE0;
	[sflag:s24] =	ssyncadd.s32 $0xFFFFE400  }
0x3a: {  	[spmem:s1] =	stream.indirect.scatter.add.f32 [tilespmem:s20], [sflag:$0x7], $0x40, s3, s17, $0xb8;
	[tilespmem:$0x16060] =	vst v63  }
0x3b: {  	_ =	swait.ge [sflag:s25], $0x1C00  }
0x3c: {  	[sflag:s25] =	ssyncset.done $0x0  }
0x3d: {  	s13 =	simm.s32 $0x2B50;
	[sflag:s25] =	ssyncadd.s32 $0xFFFFE400  }
0x3e: {  	[spmem:s1] =	stream.indirect.scatter.add.f32 [tilespmem:s21], [sflag:$0x8], $0x40, s13, s17, $0xb8;
	[tilespmem:$0x16060] =	vst v63  }
0x3f: {  	_ =	swait.ge [sflag:s26], $0x1C00  }
0x40: {  	[sflag:s26] =	ssyncset.done $0x0  }
0x41: {  	[sflag:s26] =	ssyncadd.s32 $0xFFFFE400  }
0x42: {  	_ =	swait.ge [sflag:s28], $0x1C00  }
0x43: {  	[sflag:s28] =	ssyncset.done $0x0  }
0x44: {  	[sflag:s28] =	ssyncadd.s32 $0xFFFFE400  }
0x45: {  	_ =	swait.ge [sflag:s29], $0x1C00  }
0x46: {  	[sflag:s29] =	ssyncset.done $0x0  }
0x47: {  	[sflag:s29] =	ssyncadd.s32 $0xFFFFE400  }
0x48: {  	_ =	swait.ge [sflag:s30], $0x1C00  }
0x49: {  	s0 =	simm.s32 $0x700;
	s2 =	simm.s32 $0xE00;
	[sflag:s30] =	ssyncset.done $0x0  }
.LBB2_2:
0x4a: {  	s3 =	sshra.s32 s0, $0x2  }
0x4b: {  	[sflag:s30] =	ssyncadd.s32 $0xFFFFE400;
	s0 =	smov.u32 s2;
	s13 =	sadd.s32 $0x700, s2  }
0x4c: {  	[tilespmem:s18], [sflag:$0x1] =	stream.indirect.gather [hbm4b:s4+s17], $0x40, s3, s17, $0xb8;
	[tilespmem:$0x16060] =	vst v63  }
0x4d: {  	p1 =	sne.s32 s2, $0x9A00;
	s2 =	sadd.s32 $0x70, s3  }
0x4e: {  	[tilespmem:s19], [sflag:$0x2] =	stream.indirect.gather [hbm4b:s4+s17], $0x40, s2, s17, $0xb8;
	[tilespmem:$0x16060] =	vst v63  }
0x4f: {  	s2 =	sadd.s32 $0xE0, s3  }
0x50: {  	[tilespmem:s20], [sflag:$0x3] =	stream.indirect.gather [hbm4b:s4+s17], $0x40, s2, s17, $0xb8;
	[tilespmem:$0x16060] =	vst v63  }
0x51: {  	s2 =	sadd.s32 $0x150, s3  }
0x52: {  	[tilespmem:s21], [sflag:$0x4] =	stream.indirect.gather [hbm4b:s4+s17], $0x40, s2, s17, $0xb8;
	[tilespmem:$0x16060] =	vst v63  }
0x53: {  	_ =	swait.ge [sflag:s22], $0x1C00  }
0x54: {  	[sflag:s22] =	ssyncset.done $0x0  }
0x55: {  	s2 =	sadd.s32 $0x2A00, s3;
	[sflag:s22] =	ssyncadd.s32 $0xFFFFE400  }
0x56: {  	[spmem:s1] =	stream.indirect.scatter.add.f32 [tilespmem:s18], [sflag:$0x5], $0x40, s2, s17, $0xb8;
	[tilespmem:$0x16060] =	vst v63  }
0x57: {  	_ =	swait.ge [sflag:s23], $0x1C00  }
0x58: {  	[sflag:s23] =	ssyncset.done $0x0  }
0x59: {  	s2 =	sadd.s32 $0x2A70, s3;
	[sflag:s23] =	ssyncadd.s32 $0xFFFFE400  }
0x5a: {  	[spmem:s1] =	stream.indirect.scatter.add.f32 [tilespmem:s19], [sflag:$0x6], $0x40, s2, s17, $0xb8;
	[tilespmem:$0x16060] =	vst v63  }
0x5b: {  	_ =	swait.ge [sflag:s24], $0x1C00  }
0x5c: {  	[sflag:s24] =	ssyncset.done $0x0  }
0x5d: {  	s2 =	sadd.s32 $0x2AE0, s3;
	[sflag:s24] =	ssyncadd.s32 $0xFFFFE400  }
0x5e: {  	[spmem:s1] =	stream.indirect.scatter.add.f32 [tilespmem:s20], [sflag:$0x7], $0x40, s2, s17, $0xb8;
	[tilespmem:$0x16060] =	vst v63  }
0x5f: {  	_ =	swait.ge [sflag:s25], $0x1C00  }
0x60: {  	[sflag:s25] =	ssyncset.done $0x0  }
0x61: {  	s2 =	sadd.s32 $0x2B50, s3;
	[sflag:s25] =	ssyncadd.s32 $0xFFFFE400  }
0x62: {  	[spmem:s1] =	stream.indirect.scatter.add.f32 [tilespmem:s21], [sflag:$0x8], $0x40, s2, s17, $0xb8;
	[tilespmem:$0x16060] =	vst v63  }
0x63: {  	_ =	swait.ge [sflag:s26], $0x1C00  }
0x64: {  	[sflag:s26] =	ssyncset.done $0x0  }
0x65: {  	[sflag:s26] =	ssyncadd.s32 $0xFFFFE400  }
0x66: {  	_ =	swait.ge [sflag:s28], $0x1C00  }
0x67: {  	[sflag:s28] =	ssyncset.done $0x0  }
0x68: {  	[sflag:s28] =	ssyncadd.s32 $0xFFFFE400  }
.Ltmp0:
0x69: {  	_ =	swait.ge [sflag:s29], $0x1C00;
	(pc) =	sbr.rel @p1 .LBB2_2-.Ltmp0, $4  }
0x6a: {  	[sflag:s29] =	ssyncset.done $0x0  }
0x6b: {  	[sflag:s29] =	ssyncadd.s32 $0xFFFFE400  }
0x6c: {  	_ =	swait.ge [sflag:s30], $0x1C00  }
0x6d: {  	s2 =	smov.u32 s13;
	[sflag:s30] =	ssyncset.done $0x0  }
0x6e: {  	s0 =	sshra.s32 s0, $0x2;
	[sflag:s30] =	ssyncadd.s32 $0xFFFFE400  }
0x6f: {  	[tilespmem:s18], [sflag:$0x1] =	stream.indirect.gather [hbm4b:s4+s17], $0x40, s0, s17, $0xb8;
	[tilespmem:$0x16060] =	vst v63  }
0x70: {  	s2 =	sadd.s32 $0x70, s0  }
0x71: {  	[tilespmem:s19], [sflag:$0x2] =	stream.indirect.gather [hbm4b:s4+s17], $0x40, s2, s17, $0xb8;
	[tilespmem:$0x16060] =	vst v63  }
0x72: {  	s13 =	sadd.s32 $0xE0, s0  }
0x73: {  	[tilespmem:s20], [sflag:$0x3] =	stream.indirect.gather [hbm4b:s4+s17], $0x40, s13, s17, $0xb8;
	[tilespmem:$0x16060] =	vst v63  }
0x74: {  	s3 =	sadd.s32 $0x150, s0  }
0x75: {  	[tilespmem:s21], [sflag:$0x4] =	stream.indirect.gather [hbm4b:s4+s17], $0x40, s3, s17, $0xb8;
	[tilespmem:$0x16060] =	vst v63  }
0x76: {  	_ =	swait.ge [sflag:s22], $0x1C00  }
0x77: {  	[sflag:s22] =	ssyncset.done $0x0  }
0x78: {  	s13 =	sadd.s32 $0x2A00, s0;
	[sflag:s22] =	ssyncadd.s32 $0xFFFFE400  }
0x79: {  	[spmem:s1] =	stream.indirect.scatter.add.f32 [tilespmem:s18], [sflag:$0x5], $0x40, s13, s17, $0xb8;
	[tilespmem:$0x16060] =	vst v63  }
0x7a: {  	_ =	swait.ge [sflag:s23], $0x1C00  }
0x7b: {  	[sflag:s23] =	ssyncset.done $0x0  }
0x7c: {  	s3 =	sadd.s32 $0x2A70, s0;
	[sflag:s23] =	ssyncadd.s32 $0xFFFFE400  }
0x7d: {  	[spmem:s1] =	stream.indirect.scatter.add.f32 [tilespmem:s19], [sflag:$0x6], $0x40, s3, s17, $0xb8;
	[tilespmem:$0x16060] =	vst v63  }
0x7e: {  	_ =	swait.ge [sflag:s24], $0x1C00  }
0x7f: {  	[sflag:s24] =	ssyncset.done $0x0  }
0x80: {  	s13 =	sadd.s32 $0x2AE0, s0;
	[sflag:s24] =	ssyncadd.s32 $0xFFFFE400  }
0x81: {  	[spmem:s1] =	stream.indirect.scatter.add.f32 [tilespmem:s20], [sflag:$0x7], $0x40, s13, s17, $0xb8;
	[tilespmem:$0x16060] =	vst v63  }
0x82: {  	_ =	swait.ge [sflag:s25], $0x1C00  }
0x83: {  	[sflag:s25] =	ssyncset.done $0x0  }
0x84: {  	s0 =	sadd.s32 $0x2B50, s0;
	[sflag:s25] =	ssyncadd.s32 $0xFFFFE400  }
0x85: {  	[spmem:s1] =	stream.indirect.scatter.add.f32 [tilespmem:s21], [sflag:$0x8], $0x40, s0, s17, $0xb8;
	[tilespmem:$0x16060] =	vst v63  }
0x86: {  	_ =	swait.ge [sflag:s26], $0x1C00  }
0x87: {  	[sflag:s26] =	ssyncset.done $0x0  }
0x88: {  	[sflag:s26] =	ssyncadd.s32 $0xFFFFE400  }
0x89: {  	_ =	swait.ge [sflag:s28], $0x1C00  }
0x8a: {  	[sflag:s28] =	ssyncset.done $0x0  }
0x8b: {  	[sflag:s28] =	ssyncadd.s32 $0xFFFFE400  }
0x8c: {  	_ =	swait.ge [sflag:s29], $0x1C00  }
0x8d: {  	[sflag:s29] =	ssyncset.done $0x0  }
0x8e: {  	[sflag:s29] =	ssyncadd.s32 $0xFFFFE400  }
0x8f: {  	_ =	swait.ge [sflag:s30], $0x1C00  }
0x90: {  	[sflag:s30] =	ssyncset.done $0x0  }
0x91: {  	[sflag:s30] =	ssyncadd.s32 $0xFFFFE400  }
0x92: {  	s0 =	simm.s32 @p0 $0x1FC9;
	[bflag:$0x0] =	sbarrier.arrive $0xFFFF  }
0x93: {  	[hbm:s10], [sflag:s0] =	dma.local @p0 [spmem:s14], $0x1040  }
0x94: {  	s0 =	simm.s32 @p0 $0x9  }
0x95: {  	s31 =	sadd.s32 $0x1, s31;
	_ =	swait.ge @p0 [sflag:s0], $0x1040  }
0x96: {  	p1 =	sne.s32 s31, s11;
	[sflag:s0] =	ssyncset.done @p0 $0x0  }
.Ltmp1:
0x97: {  	[sflag:s0] =	ssyncadd.s32 @p0 $0xFFFFEFC0;
	s0 =	simm.s32 @!p0 $0x9;
	(pc) =	sbr.rel @p1 .LBB2_1-.Ltmp1, $4  }
0x98: {  	[hbm:s9], [sflag:s15] =	dma.local @!p0 [spmem:s16], $0x13C0  }
0x99: {  	_ =	swait.ge @!p0 [sflag:s0], $0x13C0  }
0x9a: {  	[sflag:s0] =	ssyncset.done @!p0 $0x0  }
0x9b: {  	[sflag:s0] =	ssyncadd.s32 @!p0 $0xFFFFEC40  }
0x9c: {  	_ =	sfence.sel $0x180000  }
0x9d: {  	[bflag:$0x0] =	sbarrier.arrive $0xFFFF  }
0x9e: {  	_ =	strace $0x9000004D  }
0x9f: {  	s0 =	stileid.u32;
	[bflag:$0x2] =	sbarrier.arrive $0xFFFF  }
0xa0: {  	p0 =	sne.s32 s0, $0x0;
	s0 =	rddreg [dreg:$0x3]  }
0xa1: {  	s0 =	sadd.s32 @!p0 $0x100000, s0  }
0xa2: {  	[sflag:s0] =	ssyncadd.tile.s32 @!p0 $0x1;
	_ =	shalt  }
.Lfunc_end2:
_tile_overlayer_lowered:
.L_overlay_start_2:
0xa3: {  	(tag) =	ssettag $0x2  }
0xa4: {  	s0 =	rddreg [dreg:$0x0];
	s2 =	stileid.u32  }
0xa5: {  	s1 =	rddreg [dreg:$0x1];
	p0 =	sne.s32 s2, $0x0  }
0xa6: {  	s3 =	rddreg [dreg:$0x2];
	[bflag:$0x3] =	sbarrier.arrive $0xFFFF;
	s2 =	simm.s32 @!p0 $0x1C09  }
0xa7: {  	[timem:s3], [sflag:s2] =	dma.local @!p0 [hbm:s0], s1  }
0xa8: {  	s0 =	simm.s32 @!p0 $0x9  }
0xa9: {  	_ =	swait.ge @!p0 [sflag:s0], s1  }
0xaa: {  	s1 =	ssub.s32 @!p0 $0x0, s1;
	[sflag:s0] =	ssyncset.done @!p0 $0x0  }
0xab: {  	[sflag:s0] =	ssyncadd.s32 @!p0 s1  }
0xac: {  	[bflag:$0x3] =	sbarrier.arrive $0xFFFF  }
0xad: {  	_ =	shalt  }

// kernel: kernel.8.cloned.1.call-start
scs
__scs_entry_jumppad:
0x0: {  	(pc) =	sbr.rel $0x88, $3  }
0x1: {  	(tag) =	ssettag $0x0;
	lr =	simm.s32 $0x1  }
0x2: {  	[smem:$0x3F9D] =	sst lr;
	_ =	strace $0xD0000000  }
0x3: {  	_ = 	snop  }
0x4: {  	_ = 	snop  }
0x5: {  	_ = 	snop  }
0x6: {  	_ = 	snop  }
0x7: {  	_ = 	snop  }
__scs_overlays_trampoline_lowered:
0x8: {  	[smem:$0x3FAC] =	sst s0  }
0x9: {  	[smem:$0x3FAD] =	sst s1  }
0xa: {  	[smem:$0x3FAE] =	sst s2  }
0xb: {  	[smem:$0x3FAF] =	sst s3  }
0xc: {  	[smem:$0x3FB0] =	sst s4  }
0xd: {  	[smem:$0x3FB1] =	sst s5  }
0xe: {  	[smem:$0x3FB2] =	sst s6  }
0xf: {  	[smem:$0x3FB3] =	sst s7  }
0x10: {  	[smem:$0x3FB4] =	sst s8  }
0x11: {  	[smem:$0x3FB5] =	sst s9;
	s0 =	simm.s32 @!p0 $0x0  }
0x12: {  	s1 =	sld [smem:$0x3F9B];
	s0 =	simm.s32 @p0 $0x1  }
0x13: {  	[smem:$0x3FB6] =	sst s0;
	s0 =	simm.s32 @!p1 $0x0  }
0x14: {  	s2 =	sld [smem:$0x3F9A];
	s0 =	simm.s32 @p1 $0x1  }
0x15: {  	[smem:$0x3FB7] =	sst s0;
	s0 =	simm.s32 @!p2 $0x0  }
0x16: {  	s3 =	sld [smem:$0x3FDB];
	s0 =	simm.s32 @p2 $0x1  }
0x17: {  	s4 =	simm.s32 $0x1BF5;
	[smem:$0x3FB9] =	sst s0  }
0x18: {  	s0 =	sld [smem:$0x3F9C];
	_ =	swait.ge [sflag:s4], $0x0  }
0x19: {  	s7 =	sld [smem:$0x3F9D]  }
0x1a: {  	s8 =	sadd.s32 $0xFFFFE003, lr  }
0x1b: {  	s9 =	sadd.s32 $0xFFFFFEF7, lr;
	s5 =	simm.s32 $0xFFFFFFFF;
	p2 =	slt.u32 s8, $0xFFFFF086  }
0x1c: {  	p1 =	slt.u32 s9, $0xF7A;
	s5 =	simm.s32 @!p2 $0x0  }
0x1d: {  	s5 =	simm.s32 @p1 $0x1;
	p0 =	seq.s32 s7, s2  }
0x1e: {  	s7 =	smul.u32 @!p0 $0xF7A, s2;
	p2 =	seq.s32 @!p0 s5, $0x0  }
0x1f: {  	s9 =	smul.u32 $0xF7A, s1;
	s8 =	simm.s32 @!p0 $0x1BF5;
	p2 =	por !p2, p0  }
0x20: {  	[sflag:s8] =	ssyncset.s32 @!p0 $0xFFFFF086;
	s6 =	sadd.s32 @!p0 s3, s7;
	s7 =	simm.s32 @!p0 $0x108  }
0x21: {  	s3 =	sadd.s32 s3, s9;
	s6 =	sadd.s32 @!p0 $0x88, s6;
	s7 =	simm.s32 @p2 $0x1082  }
0x22: {  	[simem:s7], [sflag:s8] =	dma.local @!p0 [hbm:s6], $0xF7A  }
0x23: {  	s9 =	sor.u32 $0xD0000000, s2;
	s6 =	simm.s32 $0x108;
	_ =	swait.ge @!p0 [sflag:s8], $0x0  }
0x24: {  	s3 =	sadd.s32 $0x88, s3;
	s6 =	simm.s32 @!p1 $0x1082;
	[sflag:s4] =	ssyncset.s32 $0xFFFFF086  }
0x25: {  	[simem:s6], [sflag:s4] =	dma.local [hbm:s3], $0xF7A  }
0x26: {  	[smem:$0x3F9D] =	sst s1;
	(tag) =	ssettag s2;
	_ =	strace s9  }
0x27: {  	s1 =	sld [smem:$0x3FAD]  }
0x28: {  	s2 =	sld [smem:$0x3FAE]  }
0x29: {  	s4 =	sld [smem:$0x3FB0]  }
0x2a: {  	p0 =	seq.s32 s5, $0x0;
	s5 =	sld [smem:$0x3FB1]  }
0x2b: {  	s6 =	sld [smem:$0x3FB2]  }
0x2c: {  	s7 =	sld [smem:$0x3FB3]  }
0x2d: {  	s3 =	simm.s32 $0x108;
	s8 =	sld [smem:$0x3FB4]  }
0x2e: {  	s3 =	simm.s32 @!p0 $0x1082;
	s9 =	sld [smem:$0x3FB5]  }
0x2f: {  	lr =	sadd.s32 s0, s3;
	s0 =	sld [smem:$0x3FAC]  }
0x30: {  	s3 =	sld [smem:$0x3FAF]  }
0x31: {  	[smem:$0x3FB8] =	sst s10  }
0x32: {  	s10 =	sld [smem:$0x3FB6];
	_ =	sdelay $0x3  }
0x33: {  	p0 =	seq.s32 s10, $0x1;
	s10 =	sld [smem:$0x3FB8];
	_ =	sdelay $0x3  }
0x34: {  	[smem:$0x3FB8] =	sst s10  }
0x35: {  	s10 =	sld [smem:$0x3FB7];
	_ =	sdelay $0x3  }
0x36: {  	p1 =	seq.s32 s10, $0x1;
	s10 =	sld [smem:$0x3FB8];
	_ =	sdelay $0x3  }
0x37: {  	[smem:$0x3FB8] =	sst s10  }
0x38: {  	s10 =	sld [smem:$0x3FB9]  }
0x39: {  	_ = 	snop;
	(pc) =	sbr.ind lr, $3  }
0x3a: {  	_ = 	snop  }
0x3b: {  	_ = 	snop  }
0x3c: {  	p2 =	seq.s32 s10, $0x1;
	s10 =	sld [smem:$0x3FB8]  }
0x3d: {  	_ =	shalt  }
0x3e: {  	_ =	shalt  }
0x3f: {  	_ =	shalt  }
0x40: {  	_ =	shalt  }
0x41: {  	_ =	shalt  }
0x42: {  	_ =	shalt  }
0x43: {  	_ =	shalt  }
0x44: {  	_ =	shalt  }
0x45: {  	_ =	shalt  }
0x46: {  	_ =	shalt  }
0x47: {  	_ =	shalt  }
0x48: {  	_ =	shalt  }
0x49: {  	_ =	shalt  }
0x4a: {  	_ =	shalt  }
0x4b: {  	_ =	shalt  }
0x4c: {  	_ =	shalt  }
0x4d: {  	_ =	shalt  }
0x4e: {  	_ =	shalt  }
0x4f: {  	_ =	shalt  }
0x50: {  	_ =	shalt  }
0x51: {  	_ =	shalt  }
0x52: {  	_ =	shalt  }
0x53: {  	_ =	shalt  }
0x54: {  	_ =	shalt  }
0x55: {  	_ =	shalt  }
0x56: {  	_ =	shalt  }
0x57: {  	_ =	shalt  }
0x58: {  	_ =	shalt  }
0x59: {  	_ =	shalt  }
0x5a: {  	_ =	shalt  }
0x5b: {  	_ =	shalt  }
0x5c: {  	_ =	shalt  }
0x5d: {  	_ =	shalt  }
0x5e: {  	_ =	shalt  }
0x5f: {  	_ =	shalt  }
0x60: {  	_ =	shalt  }
0x61: {  	_ =	shalt  }
0x62: {  	_ =	shalt  }
0x63: {  	_ =	shalt  }
0x64: {  	_ =	shalt  }
0x65: {  	_ =	shalt  }
0x66: {  	_ =	shalt  }
0x67: {  	_ =	shalt  }
0x68: {  	_ =	shalt  }
0x69: {  	_ =	shalt  }
0x6a: {  	_ =	shalt  }
0x6b: {  	_ =	shalt  }
0x6c: {  	_ =	shalt  }
0x6d: {  	_ =	shalt  }
0x6e: {  	_ =	shalt  }
0x6f: {  	_ =	shalt  }
0x70: {  	_ =	shalt  }
0x71: {  	_ =	shalt  }
0x72: {  	_ =	shalt  }
0x73: {  	_ =	shalt  }
0x74: {  	_ =	shalt  }
0x75: {  	_ =	shalt  }
0x76: {  	_ =	shalt  }
0x77: {  	_ =	shalt  }
0x78: {  	_ =	shalt  }
0x79: {  	_ =	shalt  }
0x7a: {  	_ =	shalt  }
0x7b: {  	_ =	shalt  }
0x7c: {  	_ =	shalt  }
0x7d: {  	_ =	shalt  }
0x7e: {  	_ =	shalt  }
0x7f: {  	_ =	shalt  }
0x80: {  	_ =	shalt  }
0x81: {  	_ =	shalt  }
0x82: {  	_ =	shalt  }
0x83: {  	_ =	shalt  }
0x84: {  	_ =	shalt  }
0x85: {  	_ =	shalt  }
0x86: {  	_ =	shalt  }
0x87: {  	_ =	shalt  }
.Lfunc_end0:
.L_simem_size_0:
called_computation_lowered:
.L_overlay_start_0:
0x88: {  	s2 =	sld [smem:$0x3FD9]  }
0x89: {  	s3 =	sld [smem:$0x3FFE];
	_ =	sdelay $0x1  }
0x8a: {  	s1 =	srdreg.scid  }
0x8b: {  	s0 =	sand.u32 $0x1, s1  }
0x8c: {  	s17 =	sshll.u32 s0, $0xA;
	s2 =	sadd.s32 s3, s2  }
0x8d: {  	s2 =	sadd.s32 s2, s17  }
0x8e: {  	[smem:$0x3FC4] =	sst s2  }
0x8f: {  	_ = 	snop  }
0x90: {  	s2 =	sld [smem:$0x3FD0];
	(tm) =	ssettm $0x1  }
0x91: {  	s18 =	sld [smem:$0x3FFB];
	_ =	sdelay $0x3  }
0x92: {  	_ =	strace s18  }
0x93: {  	s3 =	sld [smem:$0x3FFC];
	_ =	sdelay $0x3  }
0x94: {  	_ =	strace s3  }
0x95: {  	s3 =	sld [smem:$0x3FFD];
	_ =	sdelay $0x3  }
0x96: {  	_ =	strace s3  }
0x97: {  	_ =	strace $0x8FFFFFFF  }
0x98: {  	s19 =	sld [smem:$0x3FDB];
	_ =	sdelay $0x1  }
0x99: {  	s4 =	simm.s32 $_scs_section_size  }
0x9a: {  	s5 =	simm.s32 $_size__tile_overlayer_lowered;
	s6 =	simm.s32 $_tile_overlayer_lowered  }
0x9b: {  	s22 =	simm.s32 $0x1BFF;
	s21 =	sshll.u32 s6, $0x1;
	s3 =	sadd.s32 s4, s19  }
0x9c: {  	s7 =	simm.s32 $0x0;
	s20 =	sshll.u32 s5, $0x1;
	s5 =	sadd.s32 s21, s3  }
0x9d: {  	[timem:s7], [sflag:s22] =	dma.local [hbm:s5], s20  }
0x9e: {  	_ =	swait.ge [sflag:s22], s20  }
0x9f: {  	s4 =	ssub.s32 $0x0, s20;
	[sflag:s22] =	ssyncset.done $0x0  }
0xa0: {  	[sflag:s22] =	ssyncadd.s32 s4;
	_ =	sdelay $0x1  }
0xa1: {  	s23 =	simm.s32 $0x1B8B  }
0xa2: {  	_ =	swait.ge [sflag:s23], $0x1  }
0xa3: {  	[sflag:s23] =	ssyncset.done $0x0  }
0xa4: {  	s25 =	simm.s32 $0x1B8E;
	s24 =	sld [smem:$0x3FFE];
	[sflag:s23] =	ssyncadd.s32 $0xFFFFFFFF  }
0xa5: {  	s26 =	simm.s32 $execute0_lowered;
	[smem:$0x3FD2] =	sst s25  }
0xa6: {  	s5 =	sshll.u32 s26, $0x1;
	_ =	strace $0x80000046;
	[dreg:$0x1] =	wrdreg $0xFFFFFFFF  }
0xa7: {  	s28 =	simm.s32 $_size_execute0_lowered;
	s3 =	sadd.s32 s3, s5;
	[dreg:$0x0] =	wrdreg $0x0  }
0xa8: {  	s5 =	sshll.u32 s28, $0x1;
	[dreg:$0x2] =	wrdreg s3  }
0xa9: {  	[dreg:$0x3] =	wrdreg s5  }
0xaa: {  	[dreg:$0x4] =	wrdreg $0xC0  }
0xab: {  	_ =	task [dreg:s7], $0x5FFFF  }
0xac: {  	[dreg:$0x1] =	wrdreg $0xFFFFFFFF  }
0xad: {  	[dreg:$0x0] =	wrdreg $0x60  }
0xae: {  	[dreg:$0x2] =	wrdreg s24  }
0xaf: {  	[dreg:$0x3] =	wrdreg s2  }
0xb0: {  	[dreg:$0x4] =	wrdreg $0x31000  }
0xb1: {  	[dreg:$0x5] =	wrdreg $0x9  }
0xb2: {  	_ =	task.clear_ibuf [dreg:s7], $0x6FFFF;
	_ =	strace $0x90000046  }
0xb3: {  	s29 =	simm.s32 $0x9;
	_ =	strace $0x80000048  }
0xb4: {  	_ =	swait.ge [sflag:s29], $0x1  }
0xb5: {  	[sflag:s29] =	ssyncadd.s32 $0xFFFFFFFF  }
0xb6: {  	_ =	strace $0x90000048  }
0xb7: {  	_ =	sfence  }
0xb8: {  	s30 =	sld [smem:$0x0];
	_ =	sdelay $0x2  }
0xb9: {  	s31 =	sshll.u32 s1, $0xD;
	s1 =	sshrl.u32 s1, $0x2  }
0xba: {  	s3 =	sand.u32 $0x4000, s31;
	s1 =	sadd.s32 s1, s30  }
0xbb: {  	s0 =	sor.u32 s3, s0;
	s1 =	sshll.u32 s1, $0x11  }
0xbc: {  	s0 =	sor.u32 s1, s0  }
0xbd: {  	s0 =	sadd.s32 $0x8F2B, s0  }
0xbe: {  	[sflag:s0] =	ssyncadd.remote.s32 $0x1  }
0xbf: {  	_ =	sfence.sel $0xFFFF  }
0xc0: {  	[dreg:$0x0] =	wrdreg $0xFFFFFFFF;
	(pc) =	sbr.abs _section_cstart, $3  }
0xc1: {  	[dreg:$0x1] =	wrdreg $0xFFFFFFFF  }
0xc2: {  	_ =	task.clear_ibuf [dreg:s7], $0x2FFFF;
	_ =	strace $0x9FFFFFFF  }
0xc3: {  	(tm) =	ssettm $0x7FFFFFFF  }
tec
execute0_lowered:
.L_overlay_start_1:
0x0: {  	(tag) =	ssettag $0x1  }
0x1: {  	s7 =	rddreg [dreg:$0x0]  }
0x2: {  	s0 =	srdreg.scid;
	s9 =	rddreg [dreg:$0x1]  }
0x3: {  	s2 =	rddreg [dreg:$0x2];
	s1 =	stileid.u32  }
0x4: {  	s3 =	simm.s32 $0x0;
	s15 =	simm.s32 $0x2A00;
	s16 =	simm.s32 $0x70  }
0x5: {  	s17 =	simm.s32 $0x1;
	s5 =	sand.u32 $0x1, s0;
	s0 =	rddreg [dreg:$0x3]  }
0x6: {  	s18 =	simm.s32 $0x0;
	[smem:$0x7FF] =	sst s3;
	s8 =	smul.u32 $0x2780, s1  }
0x7: {  	p0 =	seq.s32 s1, $0xF;
	s4 =	sshll.u32 s5, $0x4;
	_ =	strace $0x80000047  }
0x8: {  	s10 =	ssub.s32 $0x2, s5;
	s13 =	smul.u32 $0x27100, s5;
	s4 =	sor.u32 s1, s4  }
0x9: {  	s11 =	sshrl.u32 s8, $0x3;
	s12 =	sshrl.u32 s10, $0x1;
	s14 =	sadd.s32 s8, s2  }
0xa: {  	s4 =	smul.u32 $0x540, s4;
	s11 =	sadd.s32 s11, s7;
	s10 =	ssub.s32 s10, s12  }
0xb: {  	s8 =	sadd.s32 s8, s13;
	s12 =	sadd.s32 $0x25080, s2;
	s31 =	sshrl.u32 s13, $0x3  }
0xc: {  	s13 =	sshll.u32 @!p0 s1, $0x6;
	s14 =	sshrl.u32 @!p0 s14, $0x3;
	s8 =	sshrl.u32 s8, $0x3  }
0xd: {  	s10 =	smax.u32 s10, $0x1;
	s12 =	sshrl.u32 @p0 s12, $0x3;
	s13 =	sor.u32 @!p0 $0x1C02, s13  }
0xe: {  	s6 =	sadd.s32 s4, s7;
	s4 =	sadd.s32 $0x10E00, s7;
	s7 =	sadd.s32 $0x10810, s7  }
0xf: {  	s8 =	sadd.s32 s9, s8;
	s9 =	sadd.s32 s9, s31;
	s5 =	sadd.s32 $0x1600, s6  }
0x10: {  	s6 =	sadd.s32 $0xBE00, s11;
	s9 =	sadd.s32 $0x4A10, s9;
	s11 =	simm.s32 $0x2  }
.LBB2_1:
0x11: {  	[tilespmem:s3], [sflag:$0x2] =	stream.linear.gather [hbm4b:s5+s3], $0x2A00, $0x38;
	[tilespmem:$0x5818] =	vst v63  }
0x12: {  	_ =	swait.ge [sflag:s11], $0x2A00  }
0x13: {  	[sflag:s11] =	ssyncset.done $0x0  }
0x14: {  	s19 =	simm.s32 @p0 $0x1FC2;
	[sflag:s11] =	ssyncadd.s32 $0xFFFFD600  }
0x15: {  	[spmem:s12], [sflag:s19] =	dma.local @p0 [hbm:s7], $0x420  }
0x16: {  	s19 =	simm.s32 @p0 $0x2  }
0x17: {  	_ =	swait.ge @p0 [sflag:s19], $0x420  }
0x18: {  	[sflag:s19] =	ssyncset.done @p0 $0x0  }
0x19: {  	[sflag:s19] =	ssyncadd.s32 @p0 $0xFFFFFBE0;
	s19 =	simm.s32 @!p0 $0x2  }
0x1a: {  	[spmem:s14], [sflag:s13] =	dma.local @!p0 [hbm:s6], $0x4F0  }
0x1b: {  	_ =	swait.ge @!p0 [sflag:s19], $0x4F0  }
0x1c: {  	[sflag:s19] =	ssyncset.done @!p0 $0x0  }
0x1d: {  	[sflag:s19] =	ssyncadd.s32 @!p0 $0xFFFFFB10  }
0x1e: {  	[tilespmem:s15], [sflag:$0x2] =	stream.linear.gather [hbm4b:s4+s3], $0x700, $0x38;
	[tilespmem:$0x5818] =	vst v63  }
0x1f: {  	_ =	swait.ge [sflag:s11], $0x700  }
0x20: {  	[sflag:s11] =	ssyncset.done $0x0  }
0x21: {  	[sflag:s11] =	ssyncadd.s32 $0xFFFFF900  }
0x22: {  	s28 =	simm.s32 $0x0;
	[bflag:$0x0] =	sbarrier.arrive $0xFFFF  }
0x23: {  	[spmem:s2] =	stream.indirect.scatter.add.f32 [tilespmem:s15], [sflag:$0x1], $0x10, s28, s16, $0xb8;
	[tilespmem:$0x5818] =	vst v63  }
0x24: {  	s29 =	simm.s32 $0x70  }
0x25: {  	[spmem:s2] =	stream.indirect.scatter.add.f32 [tilespmem:s15], [sflag:$0x1], $0x10, s29, s16, $0xb8;
	[tilespmem:$0x5818] =	vst v63  }
0x26: {  	s30 =	simm.s32 $0xE0  }
0x27: {  	[spmem:s2] =	stream.indirect.scatter.add.f32 [tilespmem:s15], [sflag:$0x1], $0x10, s30, s16, $0xb8;
	[tilespmem:$0x5818] =	vst v63  }
0x28: {  	s31 =	simm.s32 $0x150  }
0x29: {  	[spmem:s2] =	stream.indirect.scatter.add.f32 [tilespmem:s15], [sflag:$0x1], $0x10, s31, s16, $0xb8;
	[tilespmem:$0x5818] =	vst v63  }
0x2a: {  	_ =	swait.ge [sflag:s17], $0x700  }
0x2b: {  	[sflag:s17] =	ssyncset.done $0x0  }
0x2c: {  	[sflag:s17] =	ssyncadd.s32 $0xFFFFF900  }
0x2d: {  	_ =	swait.ge [sflag:s17], $0x700  }
0x2e: {  	[sflag:s17] =	ssyncset.done $0x0  }
0x2f: {  	[sflag:s17] =	ssyncadd.s32 $0xFFFFF900  }
0x30: {  	_ =	swait.ge [sflag:s17], $0x700  }
0x31: {  	[sflag:s17] =	ssyncset.done $0x0  }
0x32: {  	[sflag:s17] =	ssyncadd.s32 $0xFFFFF900  }
0x33: {  	_ =	swait.ge [sflag:s17], $0x700  }
0x34: {  	s20 =	simm.s32 $0xE00;
	s19 =	simm.s32 $0x700;
	[sflag:s17] =	ssyncset.done $0x0  }
.LBB2_2:
0x35: {  	s21 =	sshra.s32 s19, $0x2  }
0x36: {  	[sflag:s17] =	ssyncadd.s32 $0xFFFFF900;
	s19 =	smov.u32 s20;
	s22 =	sadd.s32 $0x700, s20  }
0x37: {  	[spmem:s2] =	stream.indirect.scatter.add.f32 [tilespmem:s15], [sflag:$0x1], $0x10, s21, s16, $0xb8;
	[tilespmem:$0x5818] =	vst v63  }
0x38: {  	p1 =	sne.s32 s20, $0x9A00;
	s20 =	sadd.s32 $0x70, s21  }
0x39: {  	[spmem:s2] =	stream.indirect.scatter.add.f32 [tilespmem:s15], [sflag:$0x1], $0x10, s20, s16, $0xb8;
	[tilespmem:$0x5818] =	vst v63  }
0x3a: {  	s20 =	sadd.s32 $0xE0, s21  }
0x3b: {  	[spmem:s2] =	stream.indirect.scatter.add.f32 [tilespmem:s15], [sflag:$0x1], $0x10, s20, s16, $0xb8;
	[tilespmem:$0x5818] =	vst v63  }
0x3c: {  	s20 =	sadd.s32 $0x150, s21  }
0x3d: {  	[spmem:s2] =	stream.indirect.scatter.add.f32 [tilespmem:s15], [sflag:$0x1], $0x10, s20, s16, $0xb8;
	[tilespmem:$0x5818] =	vst v63  }
0x3e: {  	_ =	swait.ge [sflag:s17], $0x700  }
0x3f: {  	[sflag:s17] =	ssyncset.done $0x0  }
0x40: {  	[sflag:s17] =	ssyncadd.s32 $0xFFFFF900  }
0x41: {  	_ =	swait.ge [sflag:s17], $0x700  }
0x42: {  	[sflag:s17] =	ssyncset.done $0x0  }
0x43: {  	[sflag:s17] =	ssyncadd.s32 $0xFFFFF900  }
.Ltmp0:
0x44: {  	_ =	swait.ge [sflag:s17], $0x700;
	(pc) =	sbr.rel @p1 .LBB2_2-.Ltmp0, $4  }
0x45: {  	[sflag:s17] =	ssyncset.done $0x0  }
0x46: {  	[sflag:s17] =	ssyncadd.s32 $0xFFFFF900  }
0x47: {  	_ =	swait.ge [sflag:s17], $0x700  }
0x48: {  	s20 =	smov.u32 s22;
	[sflag:s17] =	ssyncset.done $0x0  }
0x49: {  	s19 =	sshra.s32 s19, $0x2;
	[sflag:s17] =	ssyncadd.s32 $0xFFFFF900  }
0x4a: {  	[spmem:s2] =	stream.indirect.scatter.add.f32 [tilespmem:s15], [sflag:$0x1], $0x10, s19, s16, $0xb8;
	[tilespmem:$0x5818] =	vst v63  }
0x4b: {  	s20 =	sadd.s32 $0x70, s19  }
0x4c: {  	[spmem:s2] =	stream.indirect.scatter.add.f32 [tilespmem:s15], [sflag:$0x1], $0x10, s20, s16, $0xb8;
	[tilespmem:$0x5818] =	vst v63  }
0x4d: {  	s31 =	sadd.s32 $0xE0, s19  }
0x4e: {  	[spmem:s2] =	stream.indirect.scatter.add.f32 [tilespmem:s15], [sflag:$0x1], $0x10, s31, s16, $0xb8;
	[tilespmem:$0x5818] =	vst v63  }
0x4f: {  	s19 =	sadd.s32 $0x150, s19  }
0x50: {  	[spmem:s2] =	stream.indirect.scatter.add.f32 [tilespmem:s15], [sflag:$0x1], $0x10, s19, s16, $0xb8;
	[tilespmem:$0x5818] =	vst v63  }
0x51: {  	_ =	swait.ge [sflag:s17], $0x700  }
0x52: {  	[sflag:s17] =	ssyncset.done $0x0  }
0x53: {  	[sflag:s17] =	ssyncadd.s32 $0xFFFFF900  }
0x54: {  	_ =	swait.ge [sflag:s17], $0x700  }
0x55: {  	[sflag:s17] =	ssyncset.done $0x0  }
0x56: {  	[sflag:s17] =	ssyncadd.s32 $0xFFFFF900  }
0x57: {  	_ =	swait.ge [sflag:s17], $0x700  }
0x58: {  	[sflag:s17] =	ssyncset.done $0x0  }
0x59: {  	[sflag:s17] =	ssyncadd.s32 $0xFFFFF900  }
0x5a: {  	_ =	swait.ge [sflag:s17], $0x700  }
0x5b: {  	[sflag:s17] =	ssyncset.done $0x0  }
0x5c: {  	[sflag:s17] =	ssyncadd.s32 $0xFFFFF900  }
0x5d: {  	s19 =	simm.s32 @p0 $0x1FC2;
	[bflag:$0x0] =	sbarrier.arrive $0xFFFF  }
0x5e: {  	[hbm:s9], [sflag:s19] =	dma.local @p0 [spmem:s12], $0x410  }
0x5f: {  	s19 =	simm.s32 @p0 $0x2  }
0x60: {  	s18 =	sadd.s32 $0x1, s18;
	_ =	swait.ge @p0 [sflag:s19], $0x410  }
0x61: {  	p1 =	sne.s32 s18, s10;
	[sflag:s19] =	ssyncset.done @p0 $0x0  }
.Ltmp1:
0x62: {  	[sflag:s19] =	ssyncadd.s32 @p0 $0xFFFFFBF0;
	s19 =	simm.s32 @!p0 $0x2;
	(pc) =	sbr.rel @p1 .LBB2_1-.Ltmp1, $4  }
0x63: {  	[hbm:s8], [sflag:s13] =	dma.local @!p0 [spmem:s14], $0x4F0  }
0x64: {  	_ =	swait.ge @!p0 [sflag:s19], $0x4F0  }
0x65: {  	[sflag:s19] =	ssyncset.done @!p0 $0x0  }
0x66: {  	[sflag:s19] =	ssyncadd.s32 @!p0 $0xFFFFFB10  }
0x67: {  	_ =	sfence.sel $0x180000  }
0x68: {  	[bflag:$0x0] =	sbarrier.arrive $0xFFFF  }
0x69: {  	p0 =	sne.s32 s1, $0x0;
	_ =	strace $0x90000047  }
0x6a: {  	s0 =	sadd.s32 @!p0 $0x100000, s0;
	[bflag:$0x2] =	sbarrier.arrive $0xFFFF  }
0x6b: {  	[sflag:s0] =	ssyncadd.tile.s32 @!p0 $0x1;
	_ =	shalt  }
.Lfunc_end2:
_tile_overlayer_lowered:
.L_overlay_start_2:
0x6c: {  	(tag) =	ssettag $0x2  }
0x6d: {  	s0 =	rddreg [dreg:$0x0];
	s2 =	stileid.u32  }
0x6e: {  	s1 =	rddreg [dreg:$0x1];
	p0 =	sne.s32 s2, $0x0  }
0x6f: {  	s3 =	rddreg [dreg:$0x2];
	[bflag:$0x3] =	sbarrier.arrive $0xFFFF;
	s2 =	simm.s32 @!p0 $0x1C02  }
0x70: {  	[timem:s3], [sflag:s2] =	dma.local @!p0 [hbm:s0], s1  }
0x71: {  	s0 =	simm.s32 @!p0 $0x2  }
0x72: {  	_ =	swait.ge @!p0 [sflag:s0], s1  }
0x73: {  	s1 =	ssub.s32 @!p0 $0x0, s1;
	[sflag:s0] =	ssyncset.done @!p0 $0x0  }
0x74: {  	[sflag:s0] =	ssyncadd.s32 @!p0 s1  }
0x75: {  	[bflag:$0x3] =	sbarrier.arrive $0xFFFF  }
0x76: {  	_ =	shalt  }

</sc_bundles>
